<compile_context>
chip_gen: v7x
topology: tpu7x:2x2x1
jax: 0.10.2.dev20260603
libtpu: 0.0.44.dev20260713+nightly
codegen_flags: <defaults>
</compile_context>

<pallas_src>
import functools

import jax
import jax.numpy as jnp
from jax import lax
from jax.experimental import pallas as pl
from jax.experimental.pallas import tpu as pltpu
from jax.experimental.pallas import tpu_sc as plsc

MAXLEN = 200
EMBED_DIM = 64
BATCH = 1024

NUM_WORKERS = 32
B_PER_W = BATCH // NUM_WORKERS
IDX_SPLIT = 2
IDX_MINOR = MAXLEN // IDX_SPLIT
VECS_PER_ROW = EMBED_DIM // 16
NBUF = 4
GATHER_AHEAD = 2


def _sc_body(idx_hbm, tok_hbm, pos_hbm, out_hbm, idx_v, rows_v, pos_v,
             sem_g, sem_o):
    wid = lax.axis_index("s") * 2 + lax.axis_index("c")
    b0 = wid * B_PER_W

    pltpu.sync_copy(pos_hbm, pos_v)
    pltpu.sync_copy(idx_hbm.at[pl.ds(b0, B_PER_W)], idx_v)

    def start_gather(i, b):
        for c in range(IDX_SPLIT):
            pltpu.make_async_copy(
                tok_hbm.at[idx_v.at[i, c]],
                rows_v.at[b, pl.ds(c * IDX_MINOR, IDX_MINOR)],
                sem_g,
            ).start()

    def wait_gather(i, b):
        for c in range(IDX_SPLIT):
            pltpu.make_async_copy(
                tok_hbm.at[idx_v.at[i, c]],
                rows_v.at[b, pl.ds(c * IDX_MINOR, IDX_MINOR)],
                sem_g,
            ).wait()

    def out_copy(i, b):
        return pltpu.make_async_copy(rows_v.at[b], out_hbm.at[b0 + i], sem_o)

    for i in range(GATHER_AHEAD):
        start_gather(i, i % NBUF)

    def outer(io, carry):
        for b_off in range(NBUF):
            i = io * NBUF + b_off
            b = b_off
            @pl.when(i >= NBUF - GATHER_AHEAD)
            def _():
                out_copy(i - (NBUF - GATHER_AHEAD),
                         (i + GATHER_AHEAD) % NBUF).wait()

            @pl.when(i + GATHER_AHEAD < B_PER_W)
            def _():
                start_gather(i + GATHER_AHEAD, (i + GATHER_AHEAD) % NBUF)

            wait_gather(i, b)

            @plsc.parallel_loop(0, MAXLEN, 1, unroll=4)
            def add_row(r):
                for j in range(VECS_PER_ROW):
                    sl = pl.ds(j * 16, 16)
                    rows_v[b, r, sl] = rows_v[b, r, sl] + pos_v[r, sl]

            out_copy(i, b).start()
        return carry

    lax.fori_loop(0, B_PER_W // NBUF, outer, 0)

    for i in range(B_PER_W - (NBUF - GATHER_AHEAD), B_PER_W):
        out_copy(i, i % NBUF).wait()


def kernel(inputs, token_table, pos_table):
    idx3 = inputs.reshape(BATCH, IDX_SPLIT, IDX_MINOR).astype(jnp.int32)
    mesh = plsc.VectorSubcoreMesh(core_axis_name="c", subcore_axis_name="s")
    k = functools.partial(
        pl.kernel,
        out_type=jax.ShapeDtypeStruct((BATCH, MAXLEN, EMBED_DIM), jnp.float32),
        mesh=mesh,
        scratch_types=[
            pltpu.VMEM((B_PER_W, IDX_SPLIT, IDX_MINOR), jnp.int32),
            pltpu.VMEM((NBUF, MAXLEN, EMBED_DIM), jnp.float32),
            pltpu.VMEM((MAXLEN, EMBED_DIM), jnp.float32),
            pltpu.SemaphoreType.DMA,
            pltpu.SemaphoreType.DMA,
        ],
        compiler_params=pltpu.CompilerParams(use_tc_tiling_on_sc=False),
    )(_sc_body)
    return k(idx3, token_table, pos_table)

# --- scband reference (transcript-rebuilt; emitter-appended) ---
"""Pipeline reference for scband-positional-token-embedding-53034256171770 (READ-ONLY COPY).

The authoritative reference and input builder live on the scoring server;
editing this copy changes nothing except your own understanding.
"""

import jax, jax.numpy as jnp
import numpy as np

MAXLEN = 200
VOCAB_SIZE = 1000000
EMBED_DIM = 64
BATCH = 1024

def setup_inputs(seed: int = 0) -> dict:
    key = jax.random.key(seed)
    k1, k2, k3 = jax.random.split(key, 3)
    inputs = jax.random.randint(k1, (BATCH, MAXLEN), 0, VOCAB_SIZE, dtype=jnp.int64 if jax.config.jax_enable_x64 else jnp.int32)
    token_table = jax.random.normal(k2, (VOCAB_SIZE, EMBED_DIM), dtype=jnp.float32) * 0.05
    pos_table = jax.random.normal(k3, (MAXLEN, EMBED_DIM), dtype=jnp.float32) * 0.05
    return {"inputs": inputs, "token_table": token_table, "pos_table": pos_table}

def reference(inputs, token_table, pos_table):
    # positions = arange(0, maxlen); positional embedding lookup
    positions = jnp.take(pos_table, jnp.arange(MAXLEN), axis=0)  # [maxlen, d]
    # token embedding lookup (gather)
    tokens = jnp.take(token_table, inputs, axis=0)  # [B, maxlen, d]
    # broadcast add: [maxlen, d] + [B, maxlen, d]
    return positions + tokens

if __name__ == "__main__":
    import jax
    _d = setup_inputs()
    print(jax.jit(kernel)(*tuple(_d.values())))

</pallas_src>

<mosaic_0001>
#map = affine_map<(d0, d1) -> (0, 0, 0)>
#map1 = affine_map<(d0, d1) -> (0, 0)>
module attributes {stable_mosaic.version = 14 : i64} {
  func.func @_sc_body(%arg0: i32, %arg1: i32, %arg2: memref<1024x2x100xi32, #tpu.memory_space<hbm>>, %arg3: memref<1000000x64xf32, #tpu.memory_space<hbm>>, %arg4: memref<200x64xf32, #tpu.memory_space<hbm>>, %arg5: memref<1024x200x64xf32, #tpu.memory_space<hbm>>, %arg6: memref<32x2x100xi32, #tpu.memory_space<vmem>>, %arg7: memref<4x200x64xf32, #tpu.memory_space<vmem>>, %arg8: memref<200x64xf32, #tpu.memory_space<vmem>>, %arg9: memref<!tpu.dma_semaphore, #tpu.memory_space<semaphore_mem>>, %arg10: memref<!tpu.dma_semaphore, #tpu.memory_space<semaphore_mem>>) attributes {dimension_semantics = [#tpu.dimension_semantics<core_parallel>, #tpu.dimension_semantics<subcore_parallel>], iteration_bounds = array<i64: 2, 16>, scalar_prefetch = 0 : i64, scratch_operands = 5 : i64, tpu.core_type = #tpu.core_type<sc_vector_subcore>, window_params = [{transform_indices = #map}, {transform_indices = #map1}, {transform_indices = #map1}, {transform_indices = #map}]} {
    %mul3A = arith.constant 2 : i32
    %mul3A_0 = arith.muli %arg1, %mul3A : i32
    %add3A = arith.addi %mul3A_0, %arg0 : i32
    %mul3A_1 = arith.constant 32 : i32
    %mul3A_2 = arith.muli %add3A, %mul3A_1 : i32
    "tpu.region"() ({
      %run_scoped3A = tpu.sem_alloc : memref<!tpu.dma_semaphore, #tpu.memory_space<semaphore_mem>>
      tpu.enqueue_dma source(%arg4 : memref<200x64xf32, #tpu.memory_space<hbm>>) target(%arg8 : memref<200x64xf32, #tpu.memory_space<vmem>>) target_semaphore(%run_scoped3A : memref<!tpu.dma_semaphore, #tpu.memory_space<semaphore_mem>>)
      tpu.wait_dma2 semaphore(%run_scoped3A : memref<!tpu.dma_semaphore, #tpu.memory_space<semaphore_mem>>) src(%arg4 : memref<200x64xf32, #tpu.memory_space<hbm>>) dst(%arg8 : memref<200x64xf32, #tpu.memory_space<vmem>>)
      tpu.yield
    }) : () -> ()
    "tpu.region"() ({
      %run_scoped3A = tpu.sem_alloc : memref<!tpu.dma_semaphore, #tpu.memory_space<semaphore_mem>>
      %dma_start3A_96 = arith.constant 0 : i32
      %dma_start3A_97 = arith.constant 0 : i32
      %dma_start3A_98 = tpu.memref_slice %arg2[%mul3A_2, %dma_start3A_96, %dma_start3A_97] : memref<1024x2x100xi32, #tpu.memory_space<hbm>> -> memref<32x2x100xi32, #tpu.memory_space<hbm>>
      %dma_start3A_99 = arith.constant 0 : i32
      %dma_start3A_100 = arith.constant 0 : i32
      %dma_start3A_101 = tpu.memref_slice %arg2[%mul3A_2, %dma_start3A_99, %dma_start3A_100] : memref<1024x2x100xi32, #tpu.memory_space<hbm>> -> memref<32x2x100xi32, #tpu.memory_space<hbm>>
      tpu.enqueue_dma source(%dma_start3A_101 : memref<32x2x100xi32, #tpu.memory_space<hbm>>) target(%arg6 : memref<32x2x100xi32, #tpu.memory_space<vmem>>) target_semaphore(%run_scoped3A : memref<!tpu.dma_semaphore, #tpu.memory_space<semaphore_mem>>)
      %dma_wait3A_102 = arith.constant 0 : i32
      %dma_wait3A_103 = arith.constant 0 : i32
      %dma_wait3A_104 = tpu.memref_slice %arg2[%mul3A_2, %dma_wait3A_102, %dma_wait3A_103] : memref<1024x2x100xi32, #tpu.memory_space<hbm>> -> memref<32x2x100xi32, #tpu.memory_space<hbm>>
      %dma_wait3A_105 = arith.constant 0 : i32
      %dma_wait3A_106 = arith.constant 0 : i32
      %dma_wait3A_107 = tpu.memref_slice %arg2[%mul3A_2, %dma_wait3A_105, %dma_wait3A_106] : memref<1024x2x100xi32, #tpu.memory_space<hbm>> -> memref<32x2x100xi32, #tpu.memory_space<hbm>>
      tpu.wait_dma2 semaphore(%run_scoped3A : memref<!tpu.dma_semaphore, #tpu.memory_space<semaphore_mem>>) src(%dma_wait3A_107 : memref<32x2x100xi32, #tpu.memory_space<hbm>>) dst(%arg6 : memref<32x2x100xi32, #tpu.memory_space<vmem>>)
      tpu.yield
    }) : () -> ()
    %dma_start3A = arith.constant 0 : i32
    %dma_start3A_3 = arith.constant 0 : i32
    %dma_start3A_4 = arith.constant 0 : i32
    %dma_start3A_5 = arith.constant 0 : i32
    %dma_start3A_6 = arith.constant 0 : i32
    %dma_start3A_7 = tpu.memref_slice %arg7[%dma_start3A_4, %dma_start3A_5, %dma_start3A_6] : memref<4x200x64xf32, #tpu.memory_space<vmem>> -> memref<1x100x64xf32, #tpu.memory_space<vmem>>
    %dma_start3A_8 = tpu.memref_squeeze %dma_start3A_7 : memref<1x100x64xf32, #tpu.memory_space<vmem>> -> memref<100x64xf32, #tpu.memory_space<vmem>>
    %dma_start3A_9 = arith.constant 0 : i32
    %dma_start3A_10 = tpu.memref_slice %arg6[%dma_start3A, %dma_start3A_3, %dma_start3A_9] : memref<32x2x100xi32, #tpu.memory_space<vmem>> -> memref<1x1x100xi32, #tpu.memory_space<vmem>>
    %dma_start3A_11 = tpu.memref_squeeze %dma_start3A_10 : memref<1x1x100xi32, #tpu.memory_space<vmem>> -> memref<100xi32, #tpu.memory_space<vmem>>
    %dma_start3A_12 = arith.constant 0 : i32
    %dma_start3A_13 = arith.constant 0 : i32
    %dma_start3A_14 = tpu.memref_slice %arg3[%dma_start3A_12, %dma_start3A_13] : memref<1000000x64xf32, #tpu.memory_space<hbm>> -> memref<1000000x64xf32, #tpu.memory_space<hbm>>
    tpu.enqueue_indirect_dma source(%dma_start3A_14 : memref<1000000x64xf32, #tpu.memory_space<hbm>>) target(%dma_start3A_8 : memref<100x64xf32, #tpu.memory_space<vmem>>) offsets(%dma_start3A_11 : memref<100xi32, #tpu.memory_space<vmem>>) semaphore(%arg9 : memref<!tpu.dma_semaphore, #tpu.memory_space<semaphore_mem>>)
    %dma_start3A_15 = arith.constant 0 : i32
    %dma_start3A_16 = arith.constant 1 : i32
    %dma_start3A_17 = arith.constant 0 : i32
    %dma_start3A_18 = arith.constant 100 : i32
    %dma_start3A_19 = arith.constant 0 : i32
    %dma_start3A_20 = tpu.memref_slice %arg7[%dma_start3A_17, %dma_start3A_18, %dma_start3A_19] : memref<4x200x64xf32, #tpu.memory_space<vmem>> -> memref<1x100x64xf32, #tpu.memory_space<vmem>>
    %dma_start3A_21 = tpu.memref_squeeze %dma_start3A_20 : memref<1x100x64xf32, #tpu.memory_space<vmem>> -> memref<100x64xf32, #tpu.memory_space<vmem>>
    %dma_start3A_22 = arith.constant 0 : i32
    %dma_start3A_23 = tpu.memref_slice %arg6[%dma_start3A_15, %dma_start3A_16, %dma_start3A_22] : memref<32x2x100xi32, #tpu.memory_space<vmem>> -> memref<1x1x100xi32, #tpu.memory_space<vmem>>
    %dma_start3A_24 = tpu.memref_squeeze %dma_start3A_23 : memref<1x1x100xi32, #tpu.memory_space<vmem>> -> memref<100xi32, #tpu.memory_space<vmem>>
    %dma_start3A_25 = arith.constant 0 : i32
    %dma_start3A_26 = arith.constant 0 : i32
    %dma_start3A_27 = tpu.memref_slice %arg3[%dma_start3A_25, %dma_start3A_26] : memref<1000000x64xf32, #tpu.memory_space<hbm>> -> memref<1000000x64xf32, #tpu.memory_space<hbm>>
    tpu.enqueue_indirect_dma source(%dma_start3A_27 : memref<1000000x64xf32, #tpu.memory_space<hbm>>) target(%dma_start3A_21 : memref<100x64xf32, #tpu.memory_space<vmem>>) offsets(%dma_start3A_24 : memref<100xi32, #tpu.memory_space<vmem>>) semaphore(%arg9 : memref<!tpu.dma_semaphore, #tpu.memory_space<semaphore_mem>>)
    %dma_start3A_28 = arith.constant 1 : i32
    %dma_start3A_29 = arith.constant 0 : i32
    %dma_start3A_30 = arith.constant 1 : i32
    %dma_start3A_31 = arith.constant 0 : i32
    %dma_start3A_32 = arith.constant 0 : i32
    %dma_start3A_33 = tpu.memref_slice %arg7[%dma_start3A_30, %dma_start3A_31, %dma_start3A_32] : memref<4x200x64xf32, #tpu.memory_space<vmem>> -> memref<1x100x64xf32, #tpu.memory_space<vmem>>
    %dma_start3A_34 = tpu.memref_squeeze %dma_start3A_33 : memref<1x100x64xf32, #tpu.memory_space<vmem>> -> memref<100x64xf32, #tpu.memory_space<vmem>>
    %dma_start3A_35 = arith.constant 0 : i32
    %dma_start3A_36 = tpu.memref_slice %arg6[%dma_start3A_28, %dma_start3A_29, %dma_start3A_35] : memref<32x2x100xi32, #tpu.memory_space<vmem>> -> memref<1x1x100xi32, #tpu.memory_space<vmem>>
    %dma_start3A_37 = tpu.memref_squeeze %dma_start3A_36 : memref<1x1x100xi32, #tpu.memory_space<vmem>> -> memref<100xi32, #tpu.memory_space<vmem>>
    %dma_start3A_38 = arith.constant 0 : i32
    %dma_start3A_39 = arith.constant 0 : i32
    %dma_start3A_40 = tpu.memref_slice %arg3[%dma_start3A_38, %dma_start3A_39] : memref<1000000x64xf32, #tpu.memory_space<hbm>> -> memref<1000000x64xf32, #tpu.memory_space<hbm>>
    tpu.enqueue_indirect_dma source(%dma_start3A_40 : memref<1000000x64xf32, #tpu.memory_space<hbm>>) target(%dma_start3A_34 : memref<100x64xf32, #tpu.memory_space<vmem>>) offsets(%dma_start3A_37 : memref<100xi32, #tpu.memory_space<vmem>>) semaphore(%arg9 : memref<!tpu.dma_semaphore, #tpu.memory_space<semaphore_mem>>)
    %dma_start3A_41 = arith.constant 1 : i32
    %dma_start3A_42 = arith.constant 1 : i32
    %dma_start3A_43 = arith.constant 1 : i32
    %dma_start3A_44 = arith.constant 100 : i32
    %dma_start3A_45 = arith.constant 0 : i32
    %dma_start3A_46 = tpu.memref_slice %arg7[%dma_start3A_43, %dma_start3A_44, %dma_start3A_45] : memref<4x200x64xf32, #tpu.memory_space<vmem>> -> memref<1x100x64xf32, #tpu.memory_space<vmem>>
    %dma_start3A_47 = tpu.memref_squeeze %dma_start3A_46 : memref<1x100x64xf32, #tpu.memory_space<vmem>> -> memref<100x64xf32, #tpu.memory_space<vmem>>
    %dma_start3A_48 = arith.constant 0 : i32
    %dma_start3A_49 = tpu.memref_slice %arg6[%dma_start3A_41, %dma_start3A_42, %dma_start3A_48] : memref<32x2x100xi32, #tpu.memory_space<vmem>> -> memref<1x1x100xi32, #tpu.memory_space<vmem>>
    %dma_start3A_50 = tpu.memref_squeeze %dma_start3A_49 : memref<1x1x100xi32, #tpu.memory_space<vmem>> -> memref<100xi32, #tpu.memory_space<vmem>>
    %dma_start3A_51 = arith.constant 0 : i32
    %dma_start3A_52 = arith.constant 0 : i32
    %dma_start3A_53 = tpu.memref_slice %arg3[%dma_start3A_51, %dma_start3A_52] : memref<1000000x64xf32, #tpu.memory_space<hbm>> -> memref<1000000x64xf32, #tpu.memory_space<hbm>>
    tpu.enqueue_indirect_dma source(%dma_start3A_53 : memref<1000000x64xf32, #tpu.memory_space<hbm>>) target(%dma_start3A_47 : memref<100x64xf32, #tpu.memory_space<vmem>>) offsets(%dma_start3A_50 : memref<100xi32, #tpu.memory_space<vmem>>) semaphore(%arg9 : memref<!tpu.dma_semaphore, #tpu.memory_space<semaphore_mem>>)
    %scan3A = arith.constant 0 : i32
    %scan3A_54 = arith.constant 0 : i32
    %scan3A_55 = arith.constant 8 : i32
    %scan3A_56 = arith.addi %scan3A_54, %scan3A_55 : i32
    %scan3A_57 = arith.constant 1 : i32
    scf.for %scan3A_96 = %scan3A_54 to %scan3A_56 step %scan3A_57  : i32 {
      %mul3A_97 = arith.constant 4 : i32
      %mul3A_98 = arith.muli %scan3A_96, %mul3A_97 : i32
      %add3A_99 = arith.constant 0 : i32
      %add3A_100 = arith.addi %mul3A_98, %add3A_99 : i32
      %ge3A = arith.constant 2 : i32
      %ge3A_101 = arith.cmpi sge, %add3A_100, %ge3A : i32
      %convert_element_type3A = arith.extui %ge3A_101 : i1 to i32
      %cond3A = arith.constant 0 : i32
      %cond3A_102 = arith.cmpi ne, %convert_element_type3A, %cond3A : i32
      scf.if %cond3A_102 {
        %sub3A = arith.constant 2 : i32
        %sub3A_336 = arith.subi %add3A_100, %sub3A : i32
        %add3A_337 = arith.constant 2 : i32
        %add3A_338 = arith.addi %add3A_100, %add3A_337 : i32
        %jit3A = arith.constant 4 : i32
        %eq3A = arith.constant 0 : i32
        %eq3A_339 = arith.cmpi eq, %jit3A, %eq3A : i32
        %jit3A_340 = arith.constant 1 : i32
        %select_n3A = arith.select %eq3A_339, %jit3A_340, %jit3A : i32
        %rem3A = arith.remsi %add3A_338, %select_n3A : i32
        %ne3A = arith.constant 0 : i32
        %ne3A_341 = arith.cmpi ne, %rem3A, %ne3A : i32
        %lt3A_342 = arith.constant 0 : i32
        %lt3A_343 = arith.cmpi slt, %rem3A, %lt3A_342 : i32
        %lt3A_344 = arith.constant 0 : i32
        %lt3A_345 = arith.cmpi slt, %select_n3A, %lt3A_344 : i32
        %ne3A_346 = arith.xori %lt3A_343, %lt3A_345 : i1
        %and3A = arith.andi %ne3A_346, %ne3A_341 : i1
        %add3A_347 = arith.addi %rem3A, %select_n3A : i32
        %select_n3A_348 = arith.select %and3A, %add3A_347, %rem3A : i32
        %add3A_349 = arith.addi %mul3A_2, %sub3A_336 : i32
        %dma_wait3A_350 = arith.constant 0 : i32
        %dma_wait3A_351 = arith.constant 0 : i32
        %dma_wait3A_352 = tpu.memref_slice %arg7[%select_n3A_348, %dma_wait3A_350, %dma_wait3A_351] : memref<4x200x64xf32, #tpu.memory_space<vmem>> -> memref<1x200x64xf32, #tpu.memory_space<vmem>>
        %dma_wait3A_353 = tpu.memref_squeeze %dma_wait3A_352 : memref<1x200x64xf32, #tpu.memory_space<vmem>> -> memref<200x64xf32, #tpu.memory_space<vmem>>
        %dma_wait3A_354 = arith.constant 0 : i32
        %dma_wait3A_355 = arith.constant 0 : i32
        %dma_wait3A_356 = tpu.memref_slice %arg5[%add3A_349, %dma_wait3A_354, %dma_wait3A_355] : memref<1024x200x64xf32, #tpu.memory_space<hbm>> -> memref<1x200x64xf32, #tpu.memory_space<hbm>>
        %dma_wait3A_357 = tpu.memref_squeeze %dma_wait3A_356 : memref<1x200x64xf32, #tpu.memory_space<hbm>> -> memref<200x64xf32, #tpu.memory_space<hbm>>
        %dma_wait3A_358 = arith.constant 0 : i32
        %dma_wait3A_359 = arith.constant 0 : i32
        %dma_wait3A_360 = tpu.memref_slice %arg5[%add3A_349, %dma_wait3A_358, %dma_wait3A_359] : memref<1024x200x64xf32, #tpu.memory_space<hbm>> -> memref<1x200x64xf32, #tpu.memory_space<hbm>>
        %dma_wait3A_361 = tpu.memref_squeeze %dma_wait3A_360 : memref<1x200x64xf32, #tpu.memory_space<hbm>> -> memref<200x64xf32, #tpu.memory_space<hbm>>
        %dma_wait3A_362 = arith.constant 0 : i32
        %dma_wait3A_363 = arith.constant 0 : i32
        %dma_wait3A_364 = tpu.memref_slice %arg7[%select_n3A_348, %dma_wait3A_362, %dma_wait3A_363] : memref<4x200x64xf32, #tpu.memory_space<vmem>> -> memref<1x200x64xf32, #tpu.memory_space<vmem>>
        %dma_wait3A_365 = tpu.memref_squeeze %dma_wait3A_364 : memref<1x200x64xf32, #tpu.memory_space<vmem>> -> memref<200x64xf32, #tpu.memory_space<vmem>>
        tpu.wait_dma2 semaphore(%arg10 : memref<!tpu.dma_semaphore, #tpu.memory_space<semaphore_mem>>) src(%dma_wait3A_365 : memref<200x64xf32, #tpu.memory_space<vmem>>) dst(%dma_wait3A_361 : memref<200x64xf32, #tpu.memory_space<hbm>>)
      } else {
      }
      %add3A_103 = arith.constant 2 : i32
      %add3A_104 = arith.addi %add3A_100, %add3A_103 : i32
      %lt3A = arith.constant 32 : i32
      %lt3A_105 = arith.cmpi slt, %add3A_104, %lt3A : i32
      %convert_element_type3A_106 = arith.extui %lt3A_105 : i1 to i32
      %cond3A_107 = arith.constant 0 : i32
      %cond3A_108 = arith.cmpi ne, %convert_element_type3A_106, %cond3A_107 : i32
      scf.if %cond3A_108 {
        %add3A_336 = arith.constant 2 : i32
        %add3A_337 = arith.addi %add3A_100, %add3A_336 : i32
        %add3A_338 = arith.constant 2 : i32
        %add3A_339 = arith.addi %add3A_100, %add3A_338 : i32
        %jit3A = arith.constant 4 : i32
        %eq3A = arith.constant 0 : i32
        %eq3A_340 = arith.cmpi eq, %jit3A, %eq3A : i32
        %jit3A_341 = arith.constant 1 : i32
        %select_n3A = arith.select %eq3A_340, %jit3A_341, %jit3A : i32
        %rem3A = arith.remsi %add3A_339, %select_n3A : i32
        %ne3A = arith.constant 0 : i32
        %ne3A_342 = arith.cmpi ne, %rem3A, %ne3A : i32
        %lt3A_343 = arith.constant 0 : i32
        %lt3A_344 = arith.cmpi slt, %rem3A, %lt3A_343 : i32
        %lt3A_345 = arith.constant 0 : i32
        %lt3A_346 = arith.cmpi slt, %select_n3A, %lt3A_345 : i32
        %ne3A_347 = arith.xori %lt3A_344, %lt3A_346 : i1
        %and3A = arith.andi %ne3A_347, %ne3A_342 : i1
        %add3A_348 = arith.addi %rem3A, %select_n3A : i32
        %select_n3A_349 = arith.select %and3A, %add3A_348, %rem3A : i32
        %dma_start3A_350 = arith.constant 0 : i32
        %dma_start3A_351 = arith.constant 0 : i32
        %dma_start3A_352 = arith.constant 0 : i32
        %dma_start3A_353 = tpu.memref_slice %arg7[%select_n3A_349, %dma_start3A_351, %dma_start3A_352] : memref<4x200x64xf32, #tpu.memory_space<vmem>> -> memref<1x100x64xf32, #tpu.memory_space<vmem>>
        %dma_start3A_354 = tpu.memref_squeeze %dma_start3A_353 : memref<1x100x64xf32, #tpu.memory_space<vmem>> -> memref<100x64xf32, #tpu.memory_space<vmem>>
        %dma_start3A_355 = arith.constant 0 : i32
        %dma_start3A_356 = tpu.memref_slice %arg6[%add3A_337, %dma_start3A_350, %dma_start3A_355] : memref<32x2x100xi32, #tpu.memory_space<vmem>> -> memref<1x1x100xi32, #tpu.memory_space<vmem>>
        %dma_start3A_357 = tpu.memref_squeeze %dma_start3A_356 : memref<1x1x100xi32, #tpu.memory_space<vmem>> -> memref<100xi32, #tpu.memory_space<vmem>>
        %dma_start3A_358 = arith.constant 0 : i32
        %dma_start3A_359 = arith.constant 0 : i32
        %dma_start3A_360 = tpu.memref_slice %arg3[%dma_start3A_358, %dma_start3A_359] : memref<1000000x64xf32, #tpu.memory_space<hbm>> -> memref<1000000x64xf32, #tpu.memory_space<hbm>>
        tpu.enqueue_indirect_dma source(%dma_start3A_360 : memref<1000000x64xf32, #tpu.memory_space<hbm>>) target(%dma_start3A_354 : memref<100x64xf32, #tpu.memory_space<vmem>>) offsets(%dma_start3A_357 : memref<100xi32, #tpu.memory_space<vmem>>) semaphore(%arg9 : memref<!tpu.dma_semaphore, #tpu.memory_space<semaphore_mem>>)
        %dma_start3A_361 = arith.constant 1 : i32
        %dma_start3A_362 = arith.constant 100 : i32
        %dma_start3A_363 = arith.constant 0 : i32
        %dma_start3A_364 = tpu.memref_slice %arg7[%select_n3A_349, %dma_start3A_362, %dma_start3A_363] : memref<4x200x64xf32, #tpu.memory_space<vmem>> -> memref<1x100x64xf32, #tpu.memory_space<vmem>>
        %dma_start3A_365 = tpu.memref_squeeze %dma_start3A_364 : memref<1x100x64xf32, #tpu.memory_space<vmem>> -> memref<100x64xf32, #tpu.memory_space<vmem>>
        %dma_start3A_366 = arith.constant 0 : i32
        %dma_start3A_367 = tpu.memref_slice %arg6[%add3A_337, %dma_start3A_361, %dma_start3A_366] : memref<32x2x100xi32, #tpu.memory_space<vmem>> -> memref<1x1x100xi32, #tpu.memory_space<vmem>>
        %dma_start3A_368 = tpu.memref_squeeze %dma_start3A_367 : memref<1x1x100xi32, #tpu.memory_space<vmem>> -> memref<100xi32, #tpu.memory_space<vmem>>
        %dma_start3A_369 = arith.constant 0 : i32
        %dma_start3A_370 = arith.constant 0 : i32
        %dma_start3A_371 = tpu.memref_slice %arg3[%dma_start3A_369, %dma_start3A_370] : memref<1000000x64xf32, #tpu.memory_space<hbm>> -> memref<1000000x64xf32, #tpu.memory_space<hbm>>
        tpu.enqueue_indirect_dma source(%dma_start3A_371 : memref<1000000x64xf32, #tpu.memory_space<hbm>>) target(%dma_start3A_365 : memref<100x64xf32, #tpu.memory_space<vmem>>) offsets(%dma_start3A_368 : memref<100xi32, #tpu.memory_space<vmem>>) semaphore(%arg9 : memref<!tpu.dma_semaphore, #tpu.memory_space<semaphore_mem>>)
      } else {
      }
      %dma_wait3A_109 = arith.constant 0 : i32
      %dma_wait3A_110 = arith.constant 0 : i32
      %dma_wait3A_111 = arith.constant 0 : i32
      %dma_wait3A_112 = arith.constant 0 : i32
      %dma_wait3A_113 = tpu.memref_slice %arg7[%dma_wait3A_110, %dma_wait3A_111, %dma_wait3A_112] : memref<4x200x64xf32, #tpu.memory_space<vmem>> -> memref<1x100x64xf32, #tpu.memory_space<vmem>>
      %dma_wait3A_114 = tpu.memref_squeeze %dma_wait3A_113 : memref<1x100x64xf32, #tpu.memory_space<vmem>> -> memref<100x64xf32, #tpu.memory_space<vmem>>
      %dma_wait3A_115 = arith.constant 0 : i32
      %dma_wait3A_116 = tpu.memref_slice %arg6[%add3A_100, %dma_wait3A_109, %dma_wait3A_115] : memref<32x2x100xi32, #tpu.memory_space<vmem>> -> memref<1x1x100xi32, #tpu.memory_space<vmem>>
      %dma_wait3A_117 = tpu.memref_squeeze %dma_wait3A_116 : memref<1x1x100xi32, #tpu.memory_space<vmem>> -> memref<100xi32, #tpu.memory_space<vmem>>
      %dma_wait3A_118 = arith.constant 0 : i32
      %dma_wait3A_119 = arith.constant 0 : i32
      %dma_wait3A_120 = tpu.memref_slice %arg3[%dma_wait3A_118, %dma_wait3A_119] : memref<1000000x64xf32, #tpu.memory_space<hbm>> -> memref<1000000x64xf32, #tpu.memory_space<hbm>>
      tpu.wait_indirect_dma semaphore(%arg9 : memref<!tpu.dma_semaphore, #tpu.memory_space<semaphore_mem>>) src(%dma_wait3A_120 : memref<1000000x64xf32, #tpu.memory_space<hbm>>) dst(%dma_wait3A_114 : memref<100x64xf32, #tpu.memory_space<vmem>>)
      %dma_wait3A_121 = arith.constant 1 : i32
      %dma_wait3A_122 = arith.constant 0 : i32
      %dma_wait3A_123 = arith.constant 100 : i32
      %dma_wait3A_124 = arith.constant 0 : i32
      %dma_wait3A_125 = tpu.memref_slice %arg7[%dma_wait3A_122, %dma_wait3A_123, %dma_wait3A_124] : memref<4x200x64xf32, #tpu.memory_space<vmem>> -> memref<1x100x64xf32, #tpu.memory_space<vmem>>
      %dma_wait3A_126 = tpu.memref_squeeze %dma_wait3A_125 : memref<1x100x64xf32, #tpu.memory_space<vmem>> -> memref<100x64xf32, #tpu.memory_space<vmem>>
      %dma_wait3A_127 = arith.constant 0 : i32
      %dma_wait3A_128 = tpu.memref_slice %arg6[%add3A_100, %dma_wait3A_121, %dma_wait3A_127] : memref<32x2x100xi32, #tpu.memory_space<vmem>> -> memref<1x1x100xi32, #tpu.memory_space<vmem>>
      %dma_wait3A_129 = tpu.memref_squeeze %dma_wait3A_128 : memref<1x1x100xi32, #tpu.memory_space<vmem>> -> memref<100xi32, #tpu.memory_space<vmem>>
      %dma_wait3A_130 = arith.constant 0 : i32
      %dma_wait3A_131 = arith.constant 0 : i32
      %dma_wait3A_132 = tpu.memref_slice %arg3[%dma_wait3A_130, %dma_wait3A_131] : memref<1000000x64xf32, #tpu.memory_space<hbm>> -> memref<1000000x64xf32, #tpu.memory_space<hbm>>
      tpu.wait_indirect_dma semaphore(%arg9 : memref<!tpu.dma_semaphore, #tpu.memory_space<semaphore_mem>>) src(%dma_wait3A_132 : memref<1000000x64xf32, #tpu.memory_space<hbm>>) dst(%dma_wait3A_126 : memref<100x64xf32, #tpu.memory_space<vmem>>)
      %parallel_loop3A = arith.constant 0 : i32
      %parallel_loop3A_133 = arith.constant 200 : i32
      %parallel_loop3A_134 = arith.constant 1 : i32
      scf.for %parallel_loop3A_336 = %parallel_loop3A to %parallel_loop3A_133 step %parallel_loop3A_134  : i32 {
        %parallel_loop3A_337 = arith.constant 0 : i32
        %parallel_loop3A_338 = arith.index_cast %parallel_loop3A_337 : i32 to index
        %parallel_loop3A_339 = arith.index_cast %parallel_loop3A_336 : i32 to index
        %parallel_loop3A_340 = arith.constant 0 : index
        %parallel_loop3A_341 = tpu.vector_load %arg7[%parallel_loop3A_338, %parallel_loop3A_339, %parallel_loop3A_340] {strides = array<i32>} : memref<4x200x64xf32, #tpu.memory_space<vmem>>, vector<1x1x16xf32>,
        %parallel_loop3A_342 = vector.shape_cast %parallel_loop3A_341 : vector<1x1x16xf32> to vector<16xf32>
        %parallel_loop3A_343 = arith.index_cast %parallel_loop3A_336 : i32 to index
        %parallel_loop3A_344 = arith.constant 0 : index
        %parallel_loop3A_345 = tpu.vector_load %arg8[%parallel_loop3A_343, %parallel_loop3A_344] {strides = array<i32>} : memref<200x64xf32, #tpu.memory_space<vmem>>, vector<1x16xf32>,
        %parallel_loop3A_346 = vector.shape_cast %parallel_loop3A_345 : vector<1x16xf32> to vector<16xf32>
        %parallel_loop3A_347 = arith.addf %parallel_loop3A_342, %parallel_loop3A_346 : vector<16xf32>
        %parallel_loop3A_348 = arith.constant 0 : i32
        %parallel_loop3A_349 = arith.index_cast %parallel_loop3A_348 : i32 to index
        %parallel_loop3A_350 = arith.index_cast %parallel_loop3A_336 : i32 to index
        %parallel_loop3A_351 = arith.constant 0 : index
        %parallel_loop3A_352 = tpu.vector_load %arg7[%parallel_loop3A_349, %parallel_loop3A_350, %parallel_loop3A_351] {strides = array<i32>} : memref<4x200x64xf32, #tpu.memory_space<vmem>>, vector<1x1x16xf32>,
        %parallel_loop3A_353 = vector.shape_cast %parallel_loop3A_352 : vector<1x1x16xf32> to vector<16xf32>
        %parallel_loop3A_354 = vector.shape_cast %parallel_loop3A_347 : vector<16xf32> to vector<1x1x16xf32>
        tpu.vector_store %arg7[%parallel_loop3A_349, %parallel_loop3A_350, %parallel_loop3A_351], %parallel_loop3A_354 {strides = array<i32>} : memref<4x200x64xf32, #tpu.memory_space<vmem>>, vector<1x1x16xf32>,
        %parallel_loop3A_355 = arith.constant 0 : i32
        %parallel_loop3A_356 = arith.index_cast %parallel_loop3A_355 : i32 to index
        %parallel_loop3A_357 = arith.index_cast %parallel_loop3A_336 : i32 to index
        %parallel_loop3A_358 = arith.constant 16 : index
        %parallel_loop3A_359 = tpu.vector_load %arg7[%parallel_loop3A_356, %parallel_loop3A_357, %parallel_loop3A_358] {strides = array<i32>} : memref<4x200x64xf32, #tpu.memory_space<vmem>>, vector<1x1x16xf32>,
        %parallel_loop3A_360 = vector.shape_cast %parallel_loop3A_359 : vector<1x1x16xf32> to vector<16xf32>
        %parallel_loop3A_361 = arith.index_cast %parallel_loop3A_336 : i32 to index
        %parallel_loop3A_362 = arith.constant 16 : index
        %parallel_loop3A_363 = tpu.vector_load %arg8[%parallel_loop3A_361, %parallel_loop3A_362] {strides = array<i32>} : memref<200x64xf32, #tpu.memory_space<vmem>>, vector<1x16xf32>,
        %parallel_loop3A_364 = vector.shape_cast %parallel_loop3A_363 : vector<1x16xf32> to vector<16xf32>
        %parallel_loop3A_365 = arith.addf %parallel_loop3A_360, %parallel_loop3A_364 : vector<16xf32>
        %parallel_loop3A_366 = arith.constant 0 : i32
        %parallel_loop3A_367 = arith.index_cast %parallel_loop3A_366 : i32 to index
        %parallel_loop3A_368 = arith.index_cast %parallel_loop3A_336 : i32 to index
        %parallel_loop3A_369 = arith.constant 16 : index
        %parallel_loop3A_370 = tpu.vector_load %arg7[%parallel_loop3A_367, %parallel_loop3A_368, %parallel_loop3A_369] {strides = array<i32>} : memref<4x200x64xf32, #tpu.memory_space<vmem>>, vector<1x1x16xf32>,
        %parallel_loop3A_371 = vector.shape_cast %parallel_loop3A_370 : vector<1x1x16xf32> to vector<16xf32>
        %parallel_loop3A_372 = vector.shape_cast %parallel_loop3A_365 : vector<16xf32> to vector<1x1x16xf32>
        tpu.vector_store %arg7[%parallel_loop3A_367, %parallel_loop3A_368, %parallel_loop3A_369], %parallel_loop3A_372 {strides = array<i32>} : memref<4x200x64xf32, #tpu.memory_space<vmem>>, vector<1x1x16xf32>,
        %parallel_loop3A_373 = arith.constant 0 : i32
        %parallel_loop3A_374 = arith.index_cast %parallel_loop3A_373 : i32 to index
        %parallel_loop3A_375 = arith.index_cast %parallel_loop3A_336 : i32 to index
        %parallel_loop3A_376 = arith.constant 32 : index
        %parallel_loop3A_377 = tpu.vector_load %arg7[%parallel_loop3A_374, %parallel_loop3A_375, %parallel_loop3A_376] {strides = array<i32>} : memref<4x200x64xf32, #tpu.memory_space<vmem>>, vector<1x1x16xf32>,
        %parallel_loop3A_378 = vector.shape_cast %parallel_loop3A_377 : vector<1x1x16xf32> to vector<16xf32>
        %parallel_loop3A_379 = arith.index_cast %parallel_loop3A_336 : i32 to index
        %parallel_loop3A_380 = arith.constant 32 : index
        %parallel_loop3A_381 = tpu.vector_load %arg8[%parallel_loop3A_379, %parallel_loop3A_380] {strides = array<i32>} : memref<200x64xf32, #tpu.memory_space<vmem>>, vector<1x16xf32>,
        %parallel_loop3A_382 = vector.shape_cast %parallel_loop3A_381 : vector<1x16xf32> to vector<16xf32>
        %parallel_loop3A_383 = arith.addf %parallel_loop3A_378, %parallel_loop3A_382 : vector<16xf32>
        %parallel_loop3A_384 = arith.constant 0 : i32
        %parallel_loop3A_385 = arith.index_cast %parallel_loop3A_384 : i32 to index
        %parallel_loop3A_386 = arith.index_cast %parallel_loop3A_336 : i32 to index
        %parallel_loop3A_387 = arith.constant 32 : index
        %parallel_loop3A_388 = tpu.vector_load %arg7[%parallel_loop3A_385, %parallel_loop3A_386, %parallel_loop3A_387] {strides = array<i32>} : memref<4x200x64xf32, #tpu.memory_space<vmem>>, vector<1x1x16xf32>,
        %parallel_loop3A_389 = vector.shape_cast %parallel_loop3A_388 : vector<1x1x16xf32> to vector<16xf32>
        %parallel_loop3A_390 = vector.shape_cast %parallel_loop3A_383 : vector<16xf32> to vector<1x1x16xf32>
        tpu.vector_store %arg7[%parallel_loop3A_385, %parallel_loop3A_386, %parallel_loop3A_387], %parallel_loop3A_390 {strides = array<i32>} : memref<4x200x64xf32, #tpu.memory_space<vmem>>, vector<1x1x16xf32>,
        %parallel_loop3A_391 = arith.constant 0 : i32
        %parallel_loop3A_392 = arith.index_cast %parallel_loop3A_391 : i32 to index
        %parallel_loop3A_393 = arith.index_cast %parallel_loop3A_336 : i32 to index
        %parallel_loop3A_394 = arith.constant 48 : index
        %parallel_loop3A_395 = tpu.vector_load %arg7[%parallel_loop3A_392, %parallel_loop3A_393, %parallel_loop3A_394] {strides = array<i32>} : memref<4x200x64xf32, #tpu.memory_space<vmem>>, vector<1x1x16xf32>,
        %parallel_loop3A_396 = vector.shape_cast %parallel_loop3A_395 : vector<1x1x16xf32> to vector<16xf32>
        %parallel_loop3A_397 = arith.index_cast %parallel_loop3A_336 : i32 to index
        %parallel_loop3A_398 = arith.constant 48 : index
        %parallel_loop3A_399 = tpu.vector_load %arg8[%parallel_loop3A_397, %parallel_loop3A_398] {strides = array<i32>} : memref<200x64xf32, #tpu.memory_space<vmem>>, vector<1x16xf32>,
        %parallel_loop3A_400 = vector.shape_cast %parallel_loop3A_399 : vector<1x16xf32> to vector<16xf32>
        %parallel_loop3A_401 = arith.addf %parallel_loop3A_396, %parallel_loop3A_400 : vector<16xf32>
        %parallel_loop3A_402 = arith.constant 0 : i32
        %parallel_loop3A_403 = arith.index_cast %parallel_loop3A_402 : i32 to index
        %parallel_loop3A_404 = arith.index_cast %parallel_loop3A_336 : i32 to index
        %parallel_loop3A_405 = arith.constant 48 : index
        %parallel_loop3A_406 = tpu.vector_load %arg7[%parallel_loop3A_403, %parallel_loop3A_404, %parallel_loop3A_405] {strides = array<i32>} : memref<4x200x64xf32, #tpu.memory_space<vmem>>, vector<1x1x16xf32>,
        %parallel_loop3A_407 = vector.shape_cast %parallel_loop3A_406 : vector<1x1x16xf32> to vector<16xf32>
        %parallel_loop3A_408 = vector.shape_cast %parallel_loop3A_401 : vector<16xf32> to vector<1x1x16xf32>
        tpu.vector_store %arg7[%parallel_loop3A_403, %parallel_loop3A_404, %parallel_loop3A_405], %parallel_loop3A_408 {strides = array<i32>} : memref<4x200x64xf32, #tpu.memory_space<vmem>>, vector<1x1x16xf32>,
      } {sc.loop_unroll_factor = 4 : i64, sc.parallel_access}
      %add3A_135 = arith.addi %mul3A_2, %add3A_100 : i32
      %dma_start3A_136 = arith.constant 0 : i32
      %dma_start3A_137 = arith.constant 0 : i32
      %dma_start3A_138 = arith.constant 0 : i32
      %dma_start3A_139 = tpu.memref_slice %arg7[%dma_start3A_136, %dma_start3A_137, %dma_start3A_138] : memref<4x200x64xf32, #tpu.memory_space<vmem>> -> memref<1x200x64xf32, #tpu.memory_space<vmem>>
      %dma_start3A_140 = tpu.memref_squeeze %dma_start3A_139 : memref<1x200x64xf32, #tpu.memory_space<vmem>> -> memref<200x64xf32, #tpu.memory_space<vmem>>
      %dma_start3A_141 = arith.constant 0 : i32
      %dma_start3A_142 = arith.constant 0 : i32
      %dma_start3A_143 = tpu.memref_slice %arg5[%add3A_135, %dma_start3A_141, %dma_start3A_142] : memref<1024x200x64xf32, #tpu.memory_space<hbm>> -> memref<1x200x64xf32, #tpu.memory_space<hbm>>
      %dma_start3A_144 = tpu.memref_squeeze %dma_start3A_143 : memref<1x200x64xf32, #tpu.memory_space<hbm>> -> memref<200x64xf32, #tpu.memory_space<hbm>>
      %dma_start3A_145 = arith.constant 0 : i32
      %dma_start3A_146 = arith.constant 0 : i32
      %dma_start3A_147 = tpu.memref_slice %arg5[%add3A_135, %dma_start3A_145, %dma_start3A_146] : memref<1024x200x64xf32, #tpu.memory_space<hbm>> -> memref<1x200x64xf32, #tpu.memory_space<hbm>>
      %dma_start3A_148 = tpu.memref_squeeze %dma_start3A_147 : memref<1x200x64xf32, #tpu.memory_space<hbm>> -> memref<200x64xf32, #tpu.memory_space<hbm>>
      %dma_start3A_149 = arith.constant 0 : i32
      %dma_start3A_150 = arith.constant 0 : i32
      %dma_start3A_151 = tpu.memref_slice %arg7[%dma_start3A_136, %dma_start3A_149, %dma_start3A_150] : memref<4x200x64xf32, #tpu.memory_space<vmem>> -> memref<1x200x64xf32, #tpu.memory_space<vmem>>
      %dma_start3A_152 = tpu.memref_squeeze %dma_start3A_151 : memref<1x200x64xf32, #tpu.memory_space<vmem>> -> memref<200x64xf32, #tpu.memory_space<vmem>>
      tpu.enqueue_dma source(%dma_start3A_152 : memref<200x64xf32, #tpu.memory_space<vmem>>) target(%dma_start3A_148 : memref<200x64xf32, #tpu.memory_space<hbm>>) target_semaphore(%arg10 : memref<!tpu.dma_semaphore, #tpu.memory_space<semaphore_mem>>)
      %mul3A_153 = arith.constant 4 : i32
      %mul3A_154 = arith.muli %scan3A_96, %mul3A_153 : i32
      %add3A_155 = arith.constant 1 : i32
      %add3A_156 = arith.addi %mul3A_154, %add3A_155 : i32
      %ge3A_157 = arith.constant 2 : i32
      %ge3A_158 = arith.cmpi sge, %add3A_156, %ge3A_157 : i32
      %convert_element_type3A_159 = arith.extui %ge3A_158 : i1 to i32
      %cond3A_160 = arith.constant 0 : i32
      %cond3A_161 = arith.cmpi ne, %convert_element_type3A_159, %cond3A_160 : i32
      scf.if %cond3A_161 {
        %sub3A = arith.constant 2 : i32
        %sub3A_336 = arith.subi %add3A_156, %sub3A : i32
        %add3A_337 = arith.constant 2 : i32
        %add3A_338 = arith.addi %add3A_156, %add3A_337 : i32
        %jit3A = arith.constant 4 : i32
        %eq3A = arith.constant 0 : i32
        %eq3A_339 = arith.cmpi eq, %jit3A, %eq3A : i32
        %jit3A_340 = arith.constant 1 : i32
        %select_n3A = arith.select %eq3A_339, %jit3A_340, %jit3A : i32
        %rem3A = arith.remsi %add3A_338, %select_n3A : i32
        %ne3A = arith.constant 0 : i32
        %ne3A_341 = arith.cmpi ne, %rem3A, %ne3A : i32
        %lt3A_342 = arith.constant 0 : i32
        %lt3A_343 = arith.cmpi slt, %rem3A, %lt3A_342 : i32
        %lt3A_344 = arith.constant 0 : i32
        %lt3A_345 = arith.cmpi slt, %select_n3A, %lt3A_344 : i32
        %ne3A_346 = arith.xori %lt3A_343, %lt3A_345 : i1
        %and3A = arith.andi %ne3A_346, %ne3A_341 : i1
        %add3A_347 = arith.addi %rem3A, %select_n3A : i32
        %select_n3A_348 = arith.select %and3A, %add3A_347, %rem3A : i32
        %add3A_349 = arith.addi %mul3A_2, %sub3A_336 : i32
        %dma_wait3A_350 = arith.constant 0 : i32
        %dma_wait3A_351 = arith.constant 0 : i32
        %dma_wait3A_352 = tpu.memref_slice %arg7[%select_n3A_348, %dma_wait3A_350, %dma_wait3A_351] : memref<4x200x64xf32, #tpu.memory_space<vmem>> -> memref<1x200x64xf32, #tpu.memory_space<vmem>>
        %dma_wait3A_353 = tpu.memref_squeeze %dma_wait3A_352 : memref<1x200x64xf32, #tpu.memory_space<vmem>> -> memref<200x64xf32, #tpu.memory_space<vmem>>
        %dma_wait3A_354 = arith.constant 0 : i32
        %dma_wait3A_355 = arith.constant 0 : i32
        %dma_wait3A_356 = tpu.memref_slice %arg5[%add3A_349, %dma_wait3A_354, %dma_wait3A_355] : memref<1024x200x64xf32, #tpu.memory_space<hbm>> -> memref<1x200x64xf32, #tpu.memory_space<hbm>>
        %dma_wait3A_357 = tpu.memref_squeeze %dma_wait3A_356 : memref<1x200x64xf32, #tpu.memory_space<hbm>> -> memref<200x64xf32, #tpu.memory_space<hbm>>
        %dma_wait3A_358 = arith.constant 0 : i32
        %dma_wait3A_359 = arith.constant 0 : i32
        %dma_wait3A_360 = tpu.memref_slice %arg5[%add3A_349, %dma_wait3A_358, %dma_wait3A_359] : memref<1024x200x64xf32, #tpu.memory_space<hbm>> -> memref<1x200x64xf32, #tpu.memory_space<hbm>>
        %dma_wait3A_361 = tpu.memref_squeeze %dma_wait3A_360 : memref<1x200x64xf32, #tpu.memory_space<hbm>> -> memref<200x64xf32, #tpu.memory_space<hbm>>
        %dma_wait3A_362 = arith.constant 0 : i32
        %dma_wait3A_363 = arith.constant 0 : i32
        %dma_wait3A_364 = tpu.memref_slice %arg7[%select_n3A_348, %dma_wait3A_362, %dma_wait3A_363] : memref<4x200x64xf32, #tpu.memory_space<vmem>> -> memref<1x200x64xf32, #tpu.memory_space<vmem>>
        %dma_wait3A_365 = tpu.memref_squeeze %dma_wait3A_364 : memref<1x200x64xf32, #tpu.memory_space<vmem>> -> memref<200x64xf32, #tpu.memory_space<vmem>>
        tpu.wait_dma2 semaphore(%arg10 : memref<!tpu.dma_semaphore, #tpu.memory_space<semaphore_mem>>) src(%dma_wait3A_365 : memref<200x64xf32, #tpu.memory_space<vmem>>) dst(%dma_wait3A_361 : memref<200x64xf32, #tpu.memory_space<hbm>>)
      } else {
      }
      %add3A_162 = arith.constant 2 : i32
      %add3A_163 = arith.addi %add3A_156, %add3A_162 : i32
      %lt3A_164 = arith.constant 32 : i32
      %lt3A_165 = arith.cmpi slt, %add3A_163, %lt3A_164 : i32
      %convert_element_type3A_166 = arith.extui %lt3A_165 : i1 to i32
      %cond3A_167 = arith.constant 0 : i32
      %cond3A_168 = arith.cmpi ne, %convert_element_type3A_166, %cond3A_167 : i32
      scf.if %cond3A_168 {
        %add3A_336 = arith.constant 2 : i32
        %add3A_337 = arith.addi %add3A_156, %add3A_336 : i32
        %add3A_338 = arith.constant 2 : i32
        %add3A_339 = arith.addi %add3A_156, %add3A_338 : i32
        %jit3A = arith.constant 4 : i32
        %eq3A = arith.constant 0 : i32
        %eq3A_340 = arith.cmpi eq, %jit3A, %eq3A : i32
        %jit3A_341 = arith.constant 1 : i32
        %select_n3A = arith.select %eq3A_340, %jit3A_341, %jit3A : i32
        %rem3A = arith.remsi %add3A_339, %select_n3A : i32
        %ne3A = arith.constant 0 : i32
        %ne3A_342 = arith.cmpi ne, %rem3A, %ne3A : i32
        %lt3A_343 = arith.constant 0 : i32
        %lt3A_344 = arith.cmpi slt, %rem3A, %lt3A_343 : i32
        %lt3A_345 = arith.constant 0 : i32
        %lt3A_346 = arith.cmpi slt, %select_n3A, %lt3A_345 : i32
        %ne3A_347 = arith.xori %lt3A_344, %lt3A_346 : i1
        %and3A = arith.andi %ne3A_347, %ne3A_342 : i1
        %add3A_348 = arith.addi %rem3A, %select_n3A : i32
        %select_n3A_349 = arith.select %and3A, %add3A_348, %rem3A : i32
        %dma_start3A_350 = arith.constant 0 : i32
        %dma_start3A_351 = arith.constant 0 : i32
        %dma_start3A_352 = arith.constant 0 : i32
        %dma_start3A_353 = tpu.memref_slice %arg7[%select_n3A_349, %dma_start3A_351, %dma_start3A_352] : memref<4x200x64xf32, #tpu.memory_space<vmem>> -> memref<1x100x64xf32, #tpu.memory_space<vmem>>
        %dma_start3A_354 = tpu.memref_squeeze %dma_start3A_353 : memref<1x100x64xf32, #tpu.memory_space<vmem>> -> memref<100x64xf32, #tpu.memory_space<vmem>>
        %dma_start3A_355 = arith.constant 0 : i32
        %dma_start3A_356 = tpu.memref_slice %arg6[%add3A_337, %dma_start3A_350, %dma_start3A_355] : memref<32x2x100xi32, #tpu.memory_space<vmem>> -> memref<1x1x100xi32, #tpu.memory_space<vmem>>
        %dma_start3A_357 = tpu.memref_squeeze %dma_start3A_356 : memref<1x1x100xi32, #tpu.memory_space<vmem>> -> memref<100xi32, #tpu.memory_space<vmem>>
        %dma_start3A_358 = arith.constant 0 : i32
        %dma_start3A_359 = arith.constant 0 : i32
        %dma_start3A_360 = tpu.memref_slice %arg3[%dma_start3A_358, %dma_start3A_359] : memref<1000000x64xf32, #tpu.memory_space<hbm>> -> memref<1000000x64xf32, #tpu.memory_space<hbm>>
        tpu.enqueue_indirect_dma source(%dma_start3A_360 : memref<1000000x64xf32, #tpu.memory_space<hbm>>) target(%dma_start3A_354 : memref<100x64xf32, #tpu.memory_space<vmem>>) offsets(%dma_start3A_357 : memref<100xi32, #tpu.memory_space<vmem>>) semaphore(%arg9 : memref<!tpu.dma_semaphore, #tpu.memory_space<semaphore_mem>>)
        %dma_start3A_361 = arith.constant 1 : i32
        %dma_start3A_362 = arith.constant 100 : i32
        %dma_start3A_363 = arith.constant 0 : i32
        %dma_start3A_364 = tpu.memref_slice %arg7[%select_n3A_349, %dma_start3A_362, %dma_start3A_363] : memref<4x200x64xf32, #tpu.memory_space<vmem>> -> memref<1x100x64xf32, #tpu.memory_space<vmem>>
        %dma_start3A_365 = tpu.memref_squeeze %dma_start3A_364 : memref<1x100x64xf32, #tpu.memory_space<vmem>> -> memref<100x64xf32, #tpu.memory_space<vmem>>
        %dma_start3A_366 = arith.constant 0 : i32
        %dma_start3A_367 = tpu.memref_slice %arg6[%add3A_337, %dma_start3A_361, %dma_start3A_366] : memref<32x2x100xi32, #tpu.memory_space<vmem>> -> memref<1x1x100xi32, #tpu.memory_space<vmem>>
        %dma_start3A_368 = tpu.memref_squeeze %dma_start3A_367 : memref<1x1x100xi32, #tpu.memory_space<vmem>> -> memref<100xi32, #tpu.memory_space<vmem>>
        %dma_start3A_369 = arith.constant 0 : i32
        %dma_start3A_370 = arith.constant 0 : i32
        %dma_start3A_371 = tpu.memref_slice %arg3[%dma_start3A_369, %dma_start3A_370] : memref<1000000x64xf32, #tpu.memory_space<hbm>> -> memref<1000000x64xf32, #tpu.memory_space<hbm>>
        tpu.enqueue_indirect_dma source(%dma_start3A_371 : memref<1000000x64xf32, #tpu.memory_space<hbm>>) target(%dma_start3A_365 : memref<100x64xf32, #tpu.memory_space<vmem>>) offsets(%dma_start3A_368 : memref<100xi32, #tpu.memory_space<vmem>>) semaphore(%arg9 : memref<!tpu.dma_semaphore, #tpu.memory_space<semaphore_mem>>)
      } else {
      }
      %dma_wait3A_169 = arith.constant 0 : i32
      %dma_wait3A_170 = arith.constant 1 : i32
      %dma_wait3A_171 = arith.constant 0 : i32
      %dma_wait3A_172 = arith.constant 0 : i32
      %dma_wait3A_173 = tpu.memref_slice %arg7[%dma_wait3A_170, %dma_wait3A_171, %dma_wait3A_172] : memref<4x200x64xf32, #tpu.memory_space<vmem>> -> memref<1x100x64xf32, #tpu.memory_space<vmem>>
      %dma_wait3A_174 = tpu.memref_squeeze %dma_wait3A_173 : memref<1x100x64xf32, #tpu.memory_space<vmem>> -> memref<100x64xf32, #tpu.memory_space<vmem>>
      %dma_wait3A_175 = arith.constant 0 : i32
      %dma_wait3A_176 = tpu.memref_slice %arg6[%add3A_156, %dma_wait3A_169, %dma_wait3A_175] : memref<32x2x100xi32, #tpu.memory_space<vmem>> -> memref<1x1x100xi32, #tpu.memory_space<vmem>>
      %dma_wait3A_177 = tpu.memref_squeeze %dma_wait3A_176 : memref<1x1x100xi32, #tpu.memory_space<vmem>> -> memref<100xi32, #tpu.memory_space<vmem>>
      %dma_wait3A_178 = arith.constant 0 : i32
      %dma_wait3A_179 = arith.constant 0 : i32
      %dma_wait3A_180 = tpu.memref_slice %arg3[%dma_wait3A_178, %dma_wait3A_179] : memref<1000000x64xf32, #tpu.memory_space<hbm>> -> memref<1000000x64xf32, #tpu.memory_space<hbm>>
      tpu.wait_indirect_dma semaphore(%arg9 : memref<!tpu.dma_semaphore, #tpu.memory_space<semaphore_mem>>) src(%dma_wait3A_180 : memref<1000000x64xf32, #tpu.memory_space<hbm>>) dst(%dma_wait3A_174 : memref<100x64xf32, #tpu.memory_space<vmem>>)
      %dma_wait3A_181 = arith.constant 1 : i32
      %dma_wait3A_182 = arith.constant 1 : i32
      %dma_wait3A_183 = arith.constant 100 : i32
      %dma_wait3A_184 = arith.constant 0 : i32
      %dma_wait3A_185 = tpu.memref_slice %arg7[%dma_wait3A_182, %dma_wait3A_183, %dma_wait3A_184] : memref<4x200x64xf32, #tpu.memory_space<vmem>> -> memref<1x100x64xf32, #tpu.memory_space<vmem>>
      %dma_wait3A_186 = tpu.memref_squeeze %dma_wait3A_185 : memref<1x100x64xf32, #tpu.memory_space<vmem>> -> memref<100x64xf32, #tpu.memory_space<vmem>>
      %dma_wait3A_187 = arith.constant 0 : i32
      %dma_wait3A_188 = tpu.memref_slice %arg6[%add3A_156, %dma_wait3A_181, %dma_wait3A_187] : memref<32x2x100xi32, #tpu.memory_space<vmem>> -> memref<1x1x100xi32, #tpu.memory_space<vmem>>
      %dma_wait3A_189 = tpu.memref_squeeze %dma_wait3A_188 : memref<1x1x100xi32, #tpu.memory_space<vmem>> -> memref<100xi32, #tpu.memory_space<vmem>>
      %dma_wait3A_190 = arith.constant 0 : i32
      %dma_wait3A_191 = arith.constant 0 : i32
      %dma_wait3A_192 = tpu.memref_slice %arg3[%dma_wait3A_190, %dma_wait3A_191] : memref<1000000x64xf32, #tpu.memory_space<hbm>> -> memref<1000000x64xf32, #tpu.memory_space<hbm>>
      tpu.wait_indirect_dma semaphore(%arg9 : memref<!tpu.dma_semaphore, #tpu.memory_space<semaphore_mem>>) src(%dma_wait3A_192 : memref<1000000x64xf32, #tpu.memory_space<hbm>>) dst(%dma_wait3A_186 : memref<100x64xf32, #tpu.memory_space<vmem>>)
      %parallel_loop3A_193 = arith.constant 0 : i32
      %parallel_loop3A_194 = arith.constant 200 : i32
      %parallel_loop3A_195 = arith.constant 1 : i32
      scf.for %parallel_loop3A_336 = %parallel_loop3A_193 to %parallel_loop3A_194 step %parallel_loop3A_195  : i32 {
        %parallel_loop3A_337 = arith.constant 1 : i32
        %parallel_loop3A_338 = arith.index_cast %parallel_loop3A_337 : i32 to index
        %parallel_loop3A_339 = arith.index_cast %parallel_loop3A_336 : i32 to index
        %parallel_loop3A_340 = arith.constant 0 : index
        %parallel_loop3A_341 = tpu.vector_load %arg7[%parallel_loop3A_338, %parallel_loop3A_339, %parallel_loop3A_340] {strides = array<i32>} : memref<4x200x64xf32, #tpu.memory_space<vmem>>, vector<1x1x16xf32>,
        %parallel_loop3A_342 = vector.shape_cast %parallel_loop3A_341 : vector<1x1x16xf32> to vector<16xf32>
        %parallel_loop3A_343 = arith.index_cast %parallel_loop3A_336 : i32 to index
        %parallel_loop3A_344 = arith.constant 0 : index
        %parallel_loop3A_345 = tpu.vector_load %arg8[%parallel_loop3A_343, %parallel_loop3A_344] {strides = array<i32>} : memref<200x64xf32, #tpu.memory_space<vmem>>, vector<1x16xf32>,
        %parallel_loop3A_346 = vector.shape_cast %parallel_loop3A_345 : vector<1x16xf32> to vector<16xf32>
        %parallel_loop3A_347 = arith.addf %parallel_loop3A_342, %parallel_loop3A_346 : vector<16xf32>
        %parallel_loop3A_348 = arith.constant 1 : i32
        %parallel_loop3A_349 = arith.index_cast %parallel_loop3A_348 : i32 to index
        %parallel_loop3A_350 = arith.index_cast %parallel_loop3A_336 : i32 to index
        %parallel_loop3A_351 = arith.constant 0 : index
        %parallel_loop3A_352 = tpu.vector_load %arg7[%parallel_loop3A_349, %parallel_loop3A_350, %parallel_loop3A_351] {strides = array<i32>} : memref<4x200x64xf32, #tpu.memory_space<vmem>>, vector<1x1x16xf32>,
        %parallel_loop3A_353 = vector.shape_cast %parallel_loop3A_352 : vector<1x1x16xf32> to vector<16xf32>
        %parallel_loop3A_354 = vector.shape_cast %parallel_loop3A_347 : vector<16xf32> to vector<1x1x16xf32>
        tpu.vector_store %arg7[%parallel_loop3A_349, %parallel_loop3A_350, %parallel_loop3A_351], %parallel_loop3A_354 {strides = array<i32>} : memref<4x200x64xf32, #tpu.memory_space<vmem>>, vector<1x1x16xf32>,
        %parallel_loop3A_355 = arith.constant 1 : i32
        %parallel_loop3A_356 = arith.index_cast %parallel_loop3A_355 : i32 to index
        %parallel_loop3A_357 = arith.index_cast %parallel_loop3A_336 : i32 to index
        %parallel_loop3A_358 = arith.constant 16 : index
        %parallel_loop3A_359 = tpu.vector_load %arg7[%parallel_loop3A_356, %parallel_loop3A_357, %parallel_loop3A_358] {strides = array<i32>} : memref<4x200x64xf32, #tpu.memory_space<vmem>>, vector<1x1x16xf32>,
        %parallel_loop3A_360 = vector.shape_cast %parallel_loop3A_359 : vector<1x1x16xf32> to vector<16xf32>
        %parallel_loop3A_361 = arith.index_cast %parallel_loop3A_336 : i32 to index
        %parallel_loop3A_362 = arith.constant 16 : index
        %parallel_loop3A_363 = tpu.vector_load %arg8[%parallel_loop3A_361, %parallel_loop3A_362] {strides = array<i32>} : memref<200x64xf32, #tpu.memory_space<vmem>>, vector<1x16xf32>,
        %parallel_loop3A_364 = vector.shape_cast %parallel_loop3A_363 : vector<1x16xf32> to vector<16xf32>
        %parallel_loop3A_365 = arith.addf %parallel_loop3A_360, %parallel_loop3A_364 : vector<16xf32>
        %parallel_loop3A_366 = arith.constant 1 : i32
        %parallel_loop3A_367 = arith.index_cast %parallel_loop3A_366 : i32 to index
        %parallel_loop3A_368 = arith.index_cast %parallel_loop3A_336 : i32 to index
        %parallel_loop3A_369 = arith.constant 16 : index
        %parallel_loop3A_370 = tpu.vector_load %arg7[%parallel_loop3A_367, %parallel_loop3A_368, %parallel_loop3A_369] {strides = array<i32>} : memref<4x200x64xf32, #tpu.memory_space<vmem>>, vector<1x1x16xf32>,
        %parallel_loop3A_371 = vector.shape_cast %parallel_loop3A_370 : vector<1x1x16xf32> to vector<16xf32>
        %parallel_loop3A_372 = vector.shape_cast %parallel_loop3A_365 : vector<16xf32> to vector<1x1x16xf32>
        tpu.vector_store %arg7[%parallel_loop3A_367, %parallel_loop3A_368, %parallel_loop3A_369], %parallel_loop3A_372 {strides = array<i32>} : memref<4x200x64xf32, #tpu.memory_space<vmem>>, vector<1x1x16xf32>,
        %parallel_loop3A_373 = arith.constant 1 : i32
        %parallel_loop3A_374 = arith.index_cast %parallel_loop3A_373 : i32 to index
        %parallel_loop3A_375 = arith.index_cast %parallel_loop3A_336 : i32 to index
        %parallel_loop3A_376 = arith.constant 32 : index
        %parallel_loop3A_377 = tpu.vector_load %arg7[%parallel_loop3A_374, %parallel_loop3A_375, %parallel_loop3A_376] {strides = array<i32>} : memref<4x200x64xf32, #tpu.memory_space<vmem>>, vector<1x1x16xf32>,
        %parallel_loop3A_378 = vector.shape_cast %parallel_loop3A_377 : vector<1x1x16xf32> to vector<16xf32>
        %parallel_loop3A_379 = arith.index_cast %parallel_loop3A_336 : i32 to index
        %parallel_loop3A_380 = arith.constant 32 : index
        %parallel_loop3A_381 = tpu.vector_load %arg8[%parallel_loop3A_379, %parallel_loop3A_380] {strides = array<i32>} : memref<200x64xf32, #tpu.memory_space<vmem>>, vector<1x16xf32>,
        %parallel_loop3A_382 = vector.shape_cast %parallel_loop3A_381 : vector<1x16xf32> to vector<16xf32>
        %parallel_loop3A_383 = arith.addf %parallel_loop3A_378, %parallel_loop3A_382 : vector<16xf32>
        %parallel_loop3A_384 = arith.constant 1 : i32
        %parallel_loop3A_385 = arith.index_cast %parallel_loop3A_384 : i32 to index
        %parallel_loop3A_386 = arith.index_cast %parallel_loop3A_336 : i32 to index
        %parallel_loop3A_387 = arith.constant 32 : index
        %parallel_loop3A_388 = tpu.vector_load %arg7[%parallel_loop3A_385, %parallel_loop3A_386, %parallel_loop3A_387] {strides = array<i32>} : memref<4x200x64xf32, #tpu.memory_space<vmem>>, vector<1x1x16xf32>,
        %parallel_loop3A_389 = vector.shape_cast %parallel_loop3A_388 : vector<1x1x16xf32> to vector<16xf32>
        %parallel_loop3A_390 = vector.shape_cast %parallel_loop3A_383 : vector<16xf32> to vector<1x1x16xf32>
        tpu.vector_store %arg7[%parallel_loop3A_385, %parallel_loop3A_386, %parallel_loop3A_387], %parallel_loop3A_390 {strides = array<i32>} : memref<4x200x64xf32, #tpu.memory_space<vmem>>, vector<1x1x16xf32>,
        %parallel_loop3A_391 = arith.constant 1 : i32
        %parallel_loop3A_392 = arith.index_cast %parallel_loop3A_391 : i32 to index
        %parallel_loop3A_393 = arith.index_cast %parallel_loop3A_336 : i32 to index
        %parallel_loop3A_394 = arith.constant 48 : index
        %parallel_loop3A_395 = tpu.vector_load %arg7[%parallel_loop3A_392, %parallel_loop3A_393, %parallel_loop3A_394] {strides = array<i32>} : memref<4x200x64xf32, #tpu.memory_space<vmem>>, vector<1x1x16xf32>,
        %parallel_loop3A_396 = vector.shape_cast %parallel_loop3A_395 : vector<1x1x16xf32> to vector<16xf32>
        %parallel_loop3A_397 = arith.index_cast %parallel_loop3A_336 : i32 to index
        %parallel_loop3A_398 = arith.constant 48 : index
        %parallel_loop3A_399 = tpu.vector_load %arg8[%parallel_loop3A_397, %parallel_loop3A_398] {strides = array<i32>} : memref<200x64xf32, #tpu.memory_space<vmem>>, vector<1x16xf32>,
        %parallel_loop3A_400 = vector.shape_cast %parallel_loop3A_399 : vector<1x16xf32> to vector<16xf32>
        %parallel_loop3A_401 = arith.addf %parallel_loop3A_396, %parallel_loop3A_400 : vector<16xf32>
        %parallel_loop3A_402 = arith.constant 1 : i32
        %parallel_loop3A_403 = arith.index_cast %parallel_loop3A_402 : i32 to index
        %parallel_loop3A_404 = arith.index_cast %parallel_loop3A_336 : i32 to index
        %parallel_loop3A_405 = arith.constant 48 : index
        %parallel_loop3A_406 = tpu.vector_load %arg7[%parallel_loop3A_403, %parallel_loop3A_404, %parallel_loop3A_405] {strides = array<i32>} : memref<4x200x64xf32, #tpu.memory_space<vmem>>, vector<1x1x16xf32>,
        %parallel_loop3A_407 = vector.shape_cast %parallel_loop3A_406 : vector<1x1x16xf32> to vector<16xf32>
        %parallel_loop3A_408 = vector.shape_cast %parallel_loop3A_401 : vector<16xf32> to vector<1x1x16xf32>
        tpu.vector_store %arg7[%parallel_loop3A_403, %parallel_loop3A_404, %parallel_loop3A_405], %parallel_loop3A_408 {strides = array<i32>} : memref<4x200x64xf32, #tpu.memory_space<vmem>>, vector<1x1x16xf32>,
      } {sc.loop_unroll_factor = 4 : i64, sc.parallel_access}
      %add3A_196 = arith.addi %mul3A_2, %add3A_156 : i32
      %dma_start3A_197 = arith.constant 1 : i32
      %dma_start3A_198 = arith.constant 0 : i32
      %dma_start3A_199 = arith.constant 0 : i32
      %dma_start3A_200 = tpu.memref_slice %arg7[%dma_start3A_197, %dma_start3A_198, %dma_start3A_199] : memref<4x200x64xf32, #tpu.memory_space<vmem>> -> memref<1x200x64xf32, #tpu.memory_space<vmem>>
      %dma_start3A_201 = tpu.memref_squeeze %dma_start3A_200 : memref<1x200x64xf32, #tpu.memory_space<vmem>> -> memref<200x64xf32, #tpu.memory_space<vmem>>
      %dma_start3A_202 = arith.constant 0 : i32
      %dma_start3A_203 = arith.constant 0 : i32
      %dma_start3A_204 = tpu.memref_slice %arg5[%add3A_196, %dma_start3A_202, %dma_start3A_203] : memref<1024x200x64xf32, #tpu.memory_space<hbm>> -> memref<1x200x64xf32, #tpu.memory_space<hbm>>
      %dma_start3A_205 = tpu.memref_squeeze %dma_start3A_204 : memref<1x200x64xf32, #tpu.memory_space<hbm>> -> memref<200x64xf32, #tpu.memory_space<hbm>>
      %dma_start3A_206 = arith.constant 0 : i32
      %dma_start3A_207 = arith.constant 0 : i32
      %dma_start3A_208 = tpu.memref_slice %arg5[%add3A_196, %dma_start3A_206, %dma_start3A_207] : memref<1024x200x64xf32, #tpu.memory_space<hbm>> -> memref<1x200x64xf32, #tpu.memory_space<hbm>>
      %dma_start3A_209 = tpu.memref_squeeze %dma_start3A_208 : memref<1x200x64xf32, #tpu.memory_space<hbm>> -> memref<200x64xf32, #tpu.memory_space<hbm>>
      %dma_start3A_210 = arith.constant 0 : i32
      %dma_start3A_211 = arith.constant 0 : i32
      %dma_start3A_212 = tpu.memref_slice %arg7[%dma_start3A_197, %dma_start3A_210, %dma_start3A_211] : memref<4x200x64xf32, #tpu.memory_space<vmem>> -> memref<1x200x64xf32, #tpu.memory_space<vmem>>
      %dma_start3A_213 = tpu.memref_squeeze %dma_start3A_212 : memref<1x200x64xf32, #tpu.memory_space<vmem>> -> memref<200x64xf32, #tpu.memory_space<vmem>>
      tpu.enqueue_dma source(%dma_start3A_213 : memref<200x64xf32, #tpu.memory_space<vmem>>) target(%dma_start3A_209 : memref<200x64xf32, #tpu.memory_space<hbm>>) target_semaphore(%arg10 : memref<!tpu.dma_semaphore, #tpu.memory_space<semaphore_mem>>)
      %mul3A_214 = arith.constant 4 : i32
      %mul3A_215 = arith.muli %scan3A_96, %mul3A_214 : i32
      %add3A_216 = arith.constant 2 : i32
      %add3A_217 = arith.addi %mul3A_215, %add3A_216 : i32
      %ge3A_218 = arith.constant 2 : i32
      %ge3A_219 = arith.cmpi sge, %add3A_217, %ge3A_218 : i32
      %convert_element_type3A_220 = arith.extui %ge3A_219 : i1 to i32
      %cond3A_221 = arith.constant 0 : i32
      %cond3A_222 = arith.cmpi ne, %convert_element_type3A_220, %cond3A_221 : i32
      scf.if %cond3A_222 {
        %sub3A = arith.constant 2 : i32
        %sub3A_336 = arith.subi %add3A_217, %sub3A : i32
        %add3A_337 = arith.constant 2 : i32
        %add3A_338 = arith.addi %add3A_217, %add3A_337 : i32
        %jit3A = arith.constant 4 : i32
        %eq3A = arith.constant 0 : i32
        %eq3A_339 = arith.cmpi eq, %jit3A, %eq3A : i32
        %jit3A_340 = arith.constant 1 : i32
        %select_n3A = arith.select %eq3A_339, %jit3A_340, %jit3A : i32
        %rem3A = arith.remsi %add3A_338, %select_n3A : i32
        %ne3A = arith.constant 0 : i32
        %ne3A_341 = arith.cmpi ne, %rem3A, %ne3A : i32
        %lt3A_342 = arith.constant 0 : i32
        %lt3A_343 = arith.cmpi slt, %rem3A, %lt3A_342 : i32
        %lt3A_344 = arith.constant 0 : i32
        %lt3A_345 = arith.cmpi slt, %select_n3A, %lt3A_344 : i32
        %ne3A_346 = arith.xori %lt3A_343, %lt3A_345 : i1
        %and3A = arith.andi %ne3A_346, %ne3A_341 : i1
        %add3A_347 = arith.addi %rem3A, %select_n3A : i32
        %select_n3A_348 = arith.select %and3A, %add3A_347, %rem3A : i32
        %add3A_349 = arith.addi %mul3A_2, %sub3A_336 : i32
        %dma_wait3A_350 = arith.constant 0 : i32
        %dma_wait3A_351 = arith.constant 0 : i32
        %dma_wait3A_352 = tpu.memref_slice %arg7[%select_n3A_348, %dma_wait3A_350, %dma_wait3A_351] : memref<4x200x64xf32, #tpu.memory_space<vmem>> -> memref<1x200x64xf32, #tpu.memory_space<vmem>>
        %dma_wait3A_353 = tpu.memref_squeeze %dma_wait3A_352 : memref<1x200x64xf32, #tpu.memory_space<vmem>> -> memref<200x64xf32, #tpu.memory_space<vmem>>
        %dma_wait3A_354 = arith.constant 0 : i32
        %dma_wait3A_355 = arith.constant 0 : i32
        %dma_wait3A_356 = tpu.memref_slice %arg5[%add3A_349, %dma_wait3A_354, %dma_wait3A_355] : memref<1024x200x64xf32, #tpu.memory_space<hbm>> -> memref<1x200x64xf32, #tpu.memory_space<hbm>>
        %dma_wait3A_357 = tpu.memref_squeeze %dma_wait3A_356 : memref<1x200x64xf32, #tpu.memory_space<hbm>> -> memref<200x64xf32, #tpu.memory_space<hbm>>
        %dma_wait3A_358 = arith.constant 0 : i32
        %dma_wait3A_359 = arith.constant 0 : i32
        %dma_wait3A_360 = tpu.memref_slice %arg5[%add3A_349, %dma_wait3A_358, %dma_wait3A_359] : memref<1024x200x64xf32, #tpu.memory_space<hbm>> -> memref<1x200x64xf32, #tpu.memory_space<hbm>>
        %dma_wait3A_361 = tpu.memref_squeeze %dma_wait3A_360 : memref<1x200x64xf32, #tpu.memory_space<hbm>> -> memref<200x64xf32, #tpu.memory_space<hbm>>
        %dma_wait3A_362 = arith.constant 0 : i32
        %dma_wait3A_363 = arith.constant 0 : i32
        %dma_wait3A_364 = tpu.memref_slice %arg7[%select_n3A_348, %dma_wait3A_362, %dma_wait3A_363] : memref<4x200x64xf32, #tpu.memory_space<vmem>> -> memref<1x200x64xf32, #tpu.memory_space<vmem>>
        %dma_wait3A_365 = tpu.memref_squeeze %dma_wait3A_364 : memref<1x200x64xf32, #tpu.memory_space<vmem>> -> memref<200x64xf32, #tpu.memory_space<vmem>>
        tpu.wait_dma2 semaphore(%arg10 : memref<!tpu.dma_semaphore, #tpu.memory_space<semaphore_mem>>) src(%dma_wait3A_365 : memref<200x64xf32, #tpu.memory_space<vmem>>) dst(%dma_wait3A_361 : memref<200x64xf32, #tpu.memory_space<hbm>>)
      } else {
      }
      %add3A_223 = arith.constant 2 : i32
      %add3A_224 = arith.addi %add3A_217, %add3A_223 : i32
      %lt3A_225 = arith.constant 32 : i32
      %lt3A_226 = arith.cmpi slt, %add3A_224, %lt3A_225 : i32
      %convert_element_type3A_227 = arith.extui %lt3A_226 : i1 to i32
      %cond3A_228 = arith.constant 0 : i32
      %cond3A_229 = arith.cmpi ne, %convert_element_type3A_227, %cond3A_228 : i32
      scf.if %cond3A_229 {
        %add3A_336 = arith.constant 2 : i32
        %add3A_337 = arith.addi %add3A_217, %add3A_336 : i32
        %add3A_338 = arith.constant 2 : i32
        %add3A_339 = arith.addi %add3A_217, %add3A_338 : i32
        %jit3A = arith.constant 4 : i32
        %eq3A = arith.constant 0 : i32
        %eq3A_340 = arith.cmpi eq, %jit3A, %eq3A : i32
        %jit3A_341 = arith.constant 1 : i32
        %select_n3A = arith.select %eq3A_340, %jit3A_341, %jit3A : i32
        %rem3A = arith.remsi %add3A_339, %select_n3A : i32
        %ne3A = arith.constant 0 : i32
        %ne3A_342 = arith.cmpi ne, %rem3A, %ne3A : i32
        %lt3A_343 = arith.constant 0 : i32
        %lt3A_344 = arith.cmpi slt, %rem3A, %lt3A_343 : i32
        %lt3A_345 = arith.constant 0 : i32
        %lt3A_346 = arith.cmpi slt, %select_n3A, %lt3A_345 : i32
        %ne3A_347 = arith.xori %lt3A_344, %lt3A_346 : i1
        %and3A = arith.andi %ne3A_347, %ne3A_342 : i1
        %add3A_348 = arith.addi %rem3A, %select_n3A : i32
        %select_n3A_349 = arith.select %and3A, %add3A_348, %rem3A : i32
        %dma_start3A_350 = arith.constant 0 : i32
        %dma_start3A_351 = arith.constant 0 : i32
        %dma_start3A_352 = arith.constant 0 : i32
        %dma_start3A_353 = tpu.memref_slice %arg7[%select_n3A_349, %dma_start3A_351, %dma_start3A_352] : memref<4x200x64xf32, #tpu.memory_space<vmem>> -> memref<1x100x64xf32, #tpu.memory_space<vmem>>
        %dma_start3A_354 = tpu.memref_squeeze %dma_start3A_353 : memref<1x100x64xf32, #tpu.memory_space<vmem>> -> memref<100x64xf32, #tpu.memory_space<vmem>>
        %dma_start3A_355 = arith.constant 0 : i32
        %dma_start3A_356 = tpu.memref_slice %arg6[%add3A_337, %dma_start3A_350, %dma_start3A_355] : memref<32x2x100xi32, #tpu.memory_space<vmem>> -> memref<1x1x100xi32, #tpu.memory_space<vmem>>
        %dma_start3A_357 = tpu.memref_squeeze %dma_start3A_356 : memref<1x1x100xi32, #tpu.memory_space<vmem>> -> memref<100xi32, #tpu.memory_space<vmem>>
        %dma_start3A_358 = arith.constant 0 : i32
        %dma_start3A_359 = arith.constant 0 : i32
        %dma_start3A_360 = tpu.memref_slice %arg3[%dma_start3A_358, %dma_start3A_359] : memref<1000000x64xf32, #tpu.memory_space<hbm>> -> memref<1000000x64xf32, #tpu.memory_space<hbm>>
        tpu.enqueue_indirect_dma source(%dma_start3A_360 : memref<1000000x64xf32, #tpu.memory_space<hbm>>) target(%dma_start3A_354 : memref<100x64xf32, #tpu.memory_space<vmem>>) offsets(%dma_start3A_357 : memref<100xi32, #tpu.memory_space<vmem>>) semaphore(%arg9 : memref<!tpu.dma_semaphore, #tpu.memory_space<semaphore_mem>>)
        %dma_start3A_361 = arith.constant 1 : i32
        %dma_start3A_362 = arith.constant 100 : i32
        %dma_start3A_363 = arith.constant 0 : i32
        %dma_start3A_364 = tpu.memref_slice %arg7[%select_n3A_349, %dma_start3A_362, %dma_start3A_363] : memref<4x200x64xf32, #tpu.memory_space<vmem>> -> memref<1x100x64xf32, #tpu.memory_space<vmem>>
        %dma_start3A_365 = tpu.memref_squeeze %dma_start3A_364 : memref<1x100x64xf32, #tpu.memory_space<vmem>> -> memref<100x64xf32, #tpu.memory_space<vmem>>
        %dma_start3A_366 = arith.constant 0 : i32
        %dma_start3A_367 = tpu.memref_slice %arg6[%add3A_337, %dma_start3A_361, %dma_start3A_366] : memref<32x2x100xi32, #tpu.memory_space<vmem>> -> memref<1x1x100xi32, #tpu.memory_space<vmem>>
        %dma_start3A_368 = tpu.memref_squeeze %dma_start3A_367 : memref<1x1x100xi32, #tpu.memory_space<vmem>> -> memref<100xi32, #tpu.memory_space<vmem>>
        %dma_start3A_369 = arith.constant 0 : i32
        %dma_start3A_370 = arith.constant 0 : i32
        %dma_start3A_371 = tpu.memref_slice %arg3[%dma_start3A_369, %dma_start3A_370] : memref<1000000x64xf32, #tpu.memory_space<hbm>> -> memref<1000000x64xf32, #tpu.memory_space<hbm>>
        tpu.enqueue_indirect_dma source(%dma_start3A_371 : memref<1000000x64xf32, #tpu.memory_space<hbm>>) target(%dma_start3A_365 : memref<100x64xf32, #tpu.memory_space<vmem>>) offsets(%dma_start3A_368 : memref<100xi32, #tpu.memory_space<vmem>>) semaphore(%arg9 : memref<!tpu.dma_semaphore, #tpu.memory_space<semaphore_mem>>)
      } else {
      }
      %dma_wait3A_230 = arith.constant 0 : i32
      %dma_wait3A_231 = arith.constant 2 : i32
      %dma_wait3A_232 = arith.constant 0 : i32
      %dma_wait3A_233 = arith.constant 0 : i32
      %dma_wait3A_234 = tpu.memref_slice %arg7[%dma_wait3A_231, %dma_wait3A_232, %dma_wait3A_233] : memref<4x200x64xf32, #tpu.memory_space<vmem>> -> memref<1x100x64xf32, #tpu.memory_space<vmem>>
      %dma_wait3A_235 = tpu.memref_squeeze %dma_wait3A_234 : memref<1x100x64xf32, #tpu.memory_space<vmem>> -> memref<100x64xf32, #tpu.memory_space<vmem>>
      %dma_wait3A_236 = arith.constant 0 : i32
      %dma_wait3A_237 = tpu.memref_slice %arg6[%add3A_217, %dma_wait3A_230, %dma_wait3A_236] : memref<32x2x100xi32, #tpu.memory_space<vmem>> -> memref<1x1x100xi32, #tpu.memory_space<vmem>>
      %dma_wait3A_238 = tpu.memref_squeeze %dma_wait3A_237 : memref<1x1x100xi32, #tpu.memory_space<vmem>> -> memref<100xi32, #tpu.memory_space<vmem>>
      %dma_wait3A_239 = arith.constant 0 : i32
      %dma_wait3A_240 = arith.constant 0 : i32
      %dma_wait3A_241 = tpu.memref_slice %arg3[%dma_wait3A_239, %dma_wait3A_240] : memref<1000000x64xf32, #tpu.memory_space<hbm>> -> memref<1000000x64xf32, #tpu.memory_space<hbm>>
      tpu.wait_indirect_dma semaphore(%arg9 : memref<!tpu.dma_semaphore, #tpu.memory_space<semaphore_mem>>) src(%dma_wait3A_241 : memref<1000000x64xf32, #tpu.memory_space<hbm>>) dst(%dma_wait3A_235 : memref<100x64xf32, #tpu.memory_space<vmem>>)
      %dma_wait3A_242 = arith.constant 1 : i32
      %dma_wait3A_243 = arith.constant 2 : i32
      %dma_wait3A_244 = arith.constant 100 : i32
      %dma_wait3A_245 = arith.constant 0 : i32
      %dma_wait3A_246 = tpu.memref_slice %arg7[%dma_wait3A_243, %dma_wait3A_244, %dma_wait3A_245] : memref<4x200x64xf32, #tpu.memory_space<vmem>> -> memref<1x100x64xf32, #tpu.memory_space<vmem>>
      %dma_wait3A_247 = tpu.memref_squeeze %dma_wait3A_246 : memref<1x100x64xf32, #tpu.memory_space<vmem>> -> memref<100x64xf32, #tpu.memory_space<vmem>>
      %dma_wait3A_248 = arith.constant 0 : i32
      %dma_wait3A_249 = tpu.memref_slice %arg6[%add3A_217, %dma_wait3A_242, %dma_wait3A_248] : memref<32x2x100xi32, #tpu.memory_space<vmem>> -> memref<1x1x100xi32, #tpu.memory_space<vmem>>
      %dma_wait3A_250 = tpu.memref_squeeze %dma_wait3A_249 : memref<1x1x100xi32, #tpu.memory_space<vmem>> -> memref<100xi32, #tpu.memory_space<vmem>>
      %dma_wait3A_251 = arith.constant 0 : i32
      %dma_wait3A_252 = arith.constant 0 : i32
      %dma_wait3A_253 = tpu.memref_slice %arg3[%dma_wait3A_251, %dma_wait3A_252] : memref<1000000x64xf32, #tpu.memory_space<hbm>> -> memref<1000000x64xf32, #tpu.memory_space<hbm>>
      tpu.wait_indirect_dma semaphore(%arg9 : memref<!tpu.dma_semaphore, #tpu.memory_space<semaphore_mem>>) src(%dma_wait3A_253 : memref<1000000x64xf32, #tpu.memory_space<hbm>>) dst(%dma_wait3A_247 : memref<100x64xf32, #tpu.memory_space<vmem>>)
      %parallel_loop3A_254 = arith.constant 0 : i32
      %parallel_loop3A_255 = arith.constant 200 : i32
      %parallel_loop3A_256 = arith.constant 1 : i32
      scf.for %parallel_loop3A_336 = %parallel_loop3A_254 to %parallel_loop3A_255 step %parallel_loop3A_256  : i32 {
        %parallel_loop3A_337 = arith.constant 2 : i32
        %parallel_loop3A_338 = arith.index_cast %parallel_loop3A_337 : i32 to index
        %parallel_loop3A_339 = arith.index_cast %parallel_loop3A_336 : i32 to index
        %parallel_loop3A_340 = arith.constant 0 : index
        %parallel_loop3A_341 = tpu.vector_load %arg7[%parallel_loop3A_338, %parallel_loop3A_339, %parallel_loop3A_340] {strides = array<i32>} : memref<4x200x64xf32, #tpu.memory_space<vmem>>, vector<1x1x16xf32>,
        %parallel_loop3A_342 = vector.shape_cast %parallel_loop3A_341 : vector<1x1x16xf32> to vector<16xf32>
        %parallel_loop3A_343 = arith.index_cast %parallel_loop3A_336 : i32 to index
        %parallel_loop3A_344 = arith.constant 0 : index
        %parallel_loop3A_345 = tpu.vector_load %arg8[%parallel_loop3A_343, %parallel_loop3A_344] {strides = array<i32>} : memref<200x64xf32, #tpu.memory_space<vmem>>, vector<1x16xf32>,
        %parallel_loop3A_346 = vector.shape_cast %parallel_loop3A_345 : vector<1x16xf32> to vector<16xf32>
        %parallel_loop3A_347 = arith.addf %parallel_loop3A_342, %parallel_loop3A_346 : vector<16xf32>
        %parallel_loop3A_348 = arith.constant 2 : i32
        %parallel_loop3A_349 = arith.index_cast %parallel_loop3A_348 : i32 to index
        %parallel_loop3A_350 = arith.index_cast %parallel_loop3A_336 : i32 to index
        %parallel_loop3A_351 = arith.constant 0 : index
        %parallel_loop3A_352 = tpu.vector_load %arg7[%parallel_loop3A_349, %parallel_loop3A_350, %parallel_loop3A_351] {strides = array<i32>} : memref<4x200x64xf32, #tpu.memory_space<vmem>>, vector<1x1x16xf32>,
        %parallel_loop3A_353 = vector.shape_cast %parallel_loop3A_352 : vector<1x1x16xf32> to vector<16xf32>
        %parallel_loop3A_354 = vector.shape_cast %parallel_loop3A_347 : vector<16xf32> to vector<1x1x16xf32>
        tpu.vector_store %arg7[%parallel_loop3A_349, %parallel_loop3A_350, %parallel_loop3A_351], %parallel_loop3A_354 {strides = array<i32>} : memref<4x200x64xf32, #tpu.memory_space<vmem>>, vector<1x1x16xf32>,
        %parallel_loop3A_355 = arith.constant 2 : i32
        %parallel_loop3A_356 = arith.index_cast %parallel_loop3A_355 : i32 to index
        %parallel_loop3A_357 = arith.index_cast %parallel_loop3A_336 : i32 to index
        %parallel_loop3A_358 = arith.constant 16 : index
        %parallel_loop3A_359 = tpu.vector_load %arg7[%parallel_loop3A_356, %parallel_loop3A_357, %parallel_loop3A_358] {strides = array<i32>} : memref<4x200x64xf32, #tpu.memory_space<vmem>>, vector<1x1x16xf32>,
        %parallel_loop3A_360 = vector.shape_cast %parallel_loop3A_359 : vector<1x1x16xf32> to vector<16xf32>
        %parallel_loop3A_361 = arith.index_cast %parallel_loop3A_336 : i32 to index
        %parallel_loop3A_362 = arith.constant 16 : index
        %parallel_loop3A_363 = tpu.vector_load %arg8[%parallel_loop3A_361, %parallel_loop3A_362] {strides = array<i32>} : memref<200x64xf32, #tpu.memory_space<vmem>>, vector<1x16xf32>,
        %parallel_loop3A_364 = vector.shape_cast %parallel_loop3A_363 : vector<1x16xf32> to vector<16xf32>
        %parallel_loop3A_365 = arith.addf %parallel_loop3A_360, %parallel_loop3A_364 : vector<16xf32>
        %parallel_loop3A_366 = arith.constant 2 : i32
        %parallel_loop3A_367 = arith.index_cast %parallel_loop3A_366 : i32 to index
        %parallel_loop3A_368 = arith.index_cast %parallel_loop3A_336 : i32 to index
        %parallel_loop3A_369 = arith.constant 16 : index
        %parallel_loop3A_370 = tpu.vector_load %arg7[%parallel_loop3A_367, %parallel_loop3A_368, %parallel_loop3A_369] {strides = array<i32>} : memref<4x200x64xf32, #tpu.memory_space<vmem>>, vector<1x1x16xf32>,
        %parallel_loop3A_371 = vector.shape_cast %parallel_loop3A_370 : vector<1x1x16xf32> to vector<16xf32>
        %parallel_loop3A_372 = vector.shape_cast %parallel_loop3A_365 : vector<16xf32> to vector<1x1x16xf32>
        tpu.vector_store %arg7[%parallel_loop3A_367, %parallel_loop3A_368, %parallel_loop3A_369], %parallel_loop3A_372 {strides = array<i32>} : memref<4x200x64xf32, #tpu.memory_space<vmem>>, vector<1x1x16xf32>,
        %parallel_loop3A_373 = arith.constant 2 : i32
        %parallel_loop3A_374 = arith.index_cast %parallel_loop3A_373 : i32 to index
        %parallel_loop3A_375 = arith.index_cast %parallel_loop3A_336 : i32 to index
        %parallel_loop3A_376 = arith.constant 32 : index
        %parallel_loop3A_377 = tpu.vector_load %arg7[%parallel_loop3A_374, %parallel_loop3A_375, %parallel_loop3A_376] {strides = array<i32>} : memref<4x200x64xf32, #tpu.memory_space<vmem>>, vector<1x1x16xf32>,
        %parallel_loop3A_378 = vector.shape_cast %parallel_loop3A_377 : vector<1x1x16xf32> to vector<16xf32>
        %parallel_loop3A_379 = arith.index_cast %parallel_loop3A_336 : i32 to index
        %parallel_loop3A_380 = arith.constant 32 : index
        %parallel_loop3A_381 = tpu.vector_load %arg8[%parallel_loop3A_379, %parallel_loop3A_380] {strides = array<i32>} : memref<200x64xf32, #tpu.memory_space<vmem>>, vector<1x16xf32>,
        %parallel_loop3A_382 = vector.shape_cast %parallel_loop3A_381 : vector<1x16xf32> to vector<16xf32>
        %parallel_loop3A_383 = arith.addf %parallel_loop3A_378, %parallel_loop3A_382 : vector<16xf32>
        %parallel_loop3A_384 = arith.constant 2 : i32
        %parallel_loop3A_385 = arith.index_cast %parallel_loop3A_384 : i32 to index
        %parallel_loop3A_386 = arith.index_cast %parallel_loop3A_336 : i32 to index
        %parallel_loop3A_387 = arith.constant 32 : index
        %parallel_loop3A_388 = tpu.vector_load %arg7[%parallel_loop3A_385, %parallel_loop3A_386, %parallel_loop3A_387] {strides = array<i32>} : memref<4x200x64xf32, #tpu.memory_space<vmem>>, vector<1x1x16xf32>,
        %parallel_loop3A_389 = vector.shape_cast %parallel_loop3A_388 : vector<1x1x16xf32> to vector<16xf32>
        %parallel_loop3A_390 = vector.shape_cast %parallel_loop3A_383 : vector<16xf32> to vector<1x1x16xf32>
        tpu.vector_store %arg7[%parallel_loop3A_385, %parallel_loop3A_386, %parallel_loop3A_387], %parallel_loop3A_390 {strides = array<i32>} : memref<4x200x64xf32, #tpu.memory_space<vmem>>, vector<1x1x16xf32>,
        %parallel_loop3A_391 = arith.constant 2 : i32
        %parallel_loop3A_392 = arith.index_cast %parallel_loop3A_391 : i32 to index
        %parallel_loop3A_393 = arith.index_cast %parallel_loop3A_336 : i32 to index
        %parallel_loop3A_394 = arith.constant 48 : index
        %parallel_loop3A_395 = tpu.vector_load %arg7[%parallel_loop3A_392, %parallel_loop3A_393, %parallel_loop3A_394] {strides = array<i32>} : memref<4x200x64xf32, #tpu.memory_space<vmem>>, vector<1x1x16xf32>,
        %parallel_loop3A_396 = vector.shape_cast %parallel_loop3A_395 : vector<1x1x16xf32> to vector<16xf32>
        %parallel_loop3A_397 = arith.index_cast %parallel_loop3A_336 : i32 to index
        %parallel_loop3A_398 = arith.constant 48 : index
        %parallel_loop3A_399 = tpu.vector_load %arg8[%parallel_loop3A_397, %parallel_loop3A_398] {strides = array<i32>} : memref<200x64xf32, #tpu.memory_space<vmem>>, vector<1x16xf32>,
        %parallel_loop3A_400 = vector.shape_cast %parallel_loop3A_399 : vector<1x16xf32> to vector<16xf32>
        %parallel_loop3A_401 = arith.addf %parallel_loop3A_396, %parallel_loop3A_400 : vector<16xf32>
        %parallel_loop3A_402 = arith.constant 2 : i32
        %parallel_loop3A_403 = arith.index_cast %parallel_loop3A_402 : i32 to index
        %parallel_loop3A_404 = arith.index_cast %parallel_loop3A_336 : i32 to index
        %parallel_loop3A_405 = arith.constant 48 : index
        %parallel_loop3A_406 = tpu.vector_load %arg7[%parallel_loop3A_403, %parallel_loop3A_404, %parallel_loop3A_405] {strides = array<i32>} : memref<4x200x64xf32, #tpu.memory_space<vmem>>, vector<1x1x16xf32>,
        %parallel_loop3A_407 = vector.shape_cast %parallel_loop3A_406 : vector<1x1x16xf32> to vector<16xf32>
        %parallel_loop3A_408 = vector.shape_cast %parallel_loop3A_401 : vector<16xf32> to vector<1x1x16xf32>
        tpu.vector_store %arg7[%parallel_loop3A_403, %parallel_loop3A_404, %parallel_loop3A_405], %parallel_loop3A_408 {strides = array<i32>} : memref<4x200x64xf32, #tpu.memory_space<vmem>>, vector<1x1x16xf32>,
      } {sc.loop_unroll_factor = 4 : i64, sc.parallel_access}
      %add3A_257 = arith.addi %mul3A_2, %add3A_217 : i32
      %dma_start3A_258 = arith.constant 2 : i32
      %dma_start3A_259 = arith.constant 0 : i32
      %dma_start3A_260 = arith.constant 0 : i32
      %dma_start3A_261 = tpu.memref_slice %arg7[%dma_start3A_258, %dma_start3A_259, %dma_start3A_260] : memref<4x200x64xf32, #tpu.memory_space<vmem>> -> memref<1x200x64xf32, #tpu.memory_space<vmem>>
      %dma_start3A_262 = tpu.memref_squeeze %dma_start3A_261 : memref<1x200x64xf32, #tpu.memory_space<vmem>> -> memref<200x64xf32, #tpu.memory_space<vmem>>
      %dma_start3A_263 = arith.constant 0 : i32
      %dma_start3A_264 = arith.constant 0 : i32
      %dma_start3A_265 = tpu.memref_slice %arg5[%add3A_257, %dma_start3A_263, %dma_start3A_264] : memref<1024x200x64xf32, #tpu.memory_space<hbm>> -> memref<1x200x64xf32, #tpu.memory_space<hbm>>
      %dma_start3A_266 = tpu.memref_squeeze %dma_start3A_265 : memref<1x200x64xf32, #tpu.memory_space<hbm>> -> memref<200x64xf32, #tpu.memory_space<hbm>>
      %dma_start3A_267 = arith.constant 0 : i32
      %dma_start3A_268 = arith.constant 0 : i32
      %dma_start3A_269 = tpu.memref_slice %arg5[%add3A_257, %dma_start3A_267, %dma_start3A_268] : memref<1024x200x64xf32, #tpu.memory_space<hbm>> -> memref<1x200x64xf32, #tpu.memory_space<hbm>>
      %dma_start3A_270 = tpu.memref_squeeze %dma_start3A_269 : memref<1x200x64xf32, #tpu.memory_space<hbm>> -> memref<200x64xf32, #tpu.memory_space<hbm>>
      %dma_start3A_271 = arith.constant 0 : i32
      %dma_start3A_272 = arith.constant 0 : i32
      %dma_start3A_273 = tpu.memref_slice %arg7[%dma_start3A_258, %dma_start3A_271, %dma_start3A_272] : memref<4x200x64xf32, #tpu.memory_space<vmem>> -> memref<1x200x64xf32, #tpu.memory_space<vmem>>
      %dma_start3A_274 = tpu.memref_squeeze %dma_start3A_273 : memref<1x200x64xf32, #tpu.memory_space<vmem>> -> memref<200x64xf32, #tpu.memory_space<vmem>>
      tpu.enqueue_dma source(%dma_start3A_274 : memref<200x64xf32, #tpu.memory_space<vmem>>) target(%dma_start3A_270 : memref<200x64xf32, #tpu.memory_space<hbm>>) target_semaphore(%arg10 : memref<!tpu.dma_semaphore, #tpu.memory_space<semaphore_mem>>)
      %mul3A_275 = arith.constant 4 : i32
      %mul3A_276 = arith.muli %scan3A_96, %mul3A_275 : i32
      %add3A_277 = arith.constant 3 : i32
      %add3A_278 = arith.addi %mul3A_276, %add3A_277 : i32
      %ge3A_279 = arith.constant 2 : i32
      %ge3A_280 = arith.cmpi sge, %add3A_278, %ge3A_279 : i32
      %convert_element_type3A_281 = arith.extui %ge3A_280 : i1 to i32
      %cond3A_282 = arith.constant 0 : i32
      %cond3A_283 = arith.cmpi ne, %convert_element_type3A_281, %cond3A_282 : i32
      scf.if %cond3A_283 {
        %sub3A = arith.constant 2 : i32
        %sub3A_336 = arith.subi %add3A_278, %sub3A : i32
        %add3A_337 = arith.constant 2 : i32
        %add3A_338 = arith.addi %add3A_278, %add3A_337 : i32
        %jit3A = arith.constant 4 : i32
        %eq3A = arith.constant 0 : i32
        %eq3A_339 = arith.cmpi eq, %jit3A, %eq3A : i32
        %jit3A_340 = arith.constant 1 : i32
        %select_n3A = arith.select %eq3A_339, %jit3A_340, %jit3A : i32
        %rem3A = arith.remsi %add3A_338, %select_n3A : i32
        %ne3A = arith.constant 0 : i32
        %ne3A_341 = arith.cmpi ne, %rem3A, %ne3A : i32
        %lt3A_342 = arith.constant 0 : i32
        %lt3A_343 = arith.cmpi slt, %rem3A, %lt3A_342 : i32
        %lt3A_344 = arith.constant 0 : i32
        %lt3A_345 = arith.cmpi slt, %select_n3A, %lt3A_344 : i32
        %ne3A_346 = arith.xori %lt3A_343, %lt3A_345 : i1
        %and3A = arith.andi %ne3A_346, %ne3A_341 : i1
        %add3A_347 = arith.addi %rem3A, %select_n3A : i32
        %select_n3A_348 = arith.select %and3A, %add3A_347, %rem3A : i32
        %add3A_349 = arith.addi %mul3A_2, %sub3A_336 : i32
        %dma_wait3A_350 = arith.constant 0 : i32
        %dma_wait3A_351 = arith.constant 0 : i32
        %dma_wait3A_352 = tpu.memref_slice %arg7[%select_n3A_348, %dma_wait3A_350, %dma_wait3A_351] : memref<4x200x64xf32, #tpu.memory_space<vmem>> -> memref<1x200x64xf32, #tpu.memory_space<vmem>>
        %dma_wait3A_353 = tpu.memref_squeeze %dma_wait3A_352 : memref<1x200x64xf32, #tpu.memory_space<vmem>> -> memref<200x64xf32, #tpu.memory_space<vmem>>
        %dma_wait3A_354 = arith.constant 0 : i32
        %dma_wait3A_355 = arith.constant 0 : i32
        %dma_wait3A_356 = tpu.memref_slice %arg5[%add3A_349, %dma_wait3A_354, %dma_wait3A_355] : memref<1024x200x64xf32, #tpu.memory_space<hbm>> -> memref<1x200x64xf32, #tpu.memory_space<hbm>>
        %dma_wait3A_357 = tpu.memref_squeeze %dma_wait3A_356 : memref<1x200x64xf32, #tpu.memory_space<hbm>> -> memref<200x64xf32, #tpu.memory_space<hbm>>
        %dma_wait3A_358 = arith.constant 0 : i32
        %dma_wait3A_359 = arith.constant 0 : i32
        %dma_wait3A_360 = tpu.memref_slice %arg5[%add3A_349, %dma_wait3A_358, %dma_wait3A_359] : memref<1024x200x64xf32, #tpu.memory_space<hbm>> -> memref<1x200x64xf32, #tpu.memory_space<hbm>>
        %dma_wait3A_361 = tpu.memref_squeeze %dma_wait3A_360 : memref<1x200x64xf32, #tpu.memory_space<hbm>> -> memref<200x64xf32, #tpu.memory_space<hbm>>
        %dma_wait3A_362 = arith.constant 0 : i32
        %dma_wait3A_363 = arith.constant 0 : i32
        %dma_wait3A_364 = tpu.memref_slice %arg7[%select_n3A_348, %dma_wait3A_362, %dma_wait3A_363] : memref<4x200x64xf32, #tpu.memory_space<vmem>> -> memref<1x200x64xf32, #tpu.memory_space<vmem>>
        %dma_wait3A_365 = tpu.memref_squeeze %dma_wait3A_364 : memref<1x200x64xf32, #tpu.memory_space<vmem>> -> memref<200x64xf32, #tpu.memory_space<vmem>>
        tpu.wait_dma2 semaphore(%arg10 : memref<!tpu.dma_semaphore, #tpu.memory_space<semaphore_mem>>) src(%dma_wait3A_365 : memref<200x64xf32, #tpu.memory_space<vmem>>) dst(%dma_wait3A_361 : memref<200x64xf32, #tpu.memory_space<hbm>>)
      } else {
      }
      %add3A_284 = arith.constant 2 : i32
      %add3A_285 = arith.addi %add3A_278, %add3A_284 : i32
      %lt3A_286 = arith.constant 32 : i32
      %lt3A_287 = arith.cmpi slt, %add3A_285, %lt3A_286 : i32
      %convert_element_type3A_288 = arith.extui %lt3A_287 : i1 to i32
      %cond3A_289 = arith.constant 0 : i32
      %cond3A_290 = arith.cmpi ne, %convert_element_type3A_288, %cond3A_289 : i32
      scf.if %cond3A_290 {
        %add3A_336 = arith.constant 2 : i32
        %add3A_337 = arith.addi %add3A_278, %add3A_336 : i32
        %add3A_338 = arith.constant 2 : i32
        %add3A_339 = arith.addi %add3A_278, %add3A_338 : i32
        %jit3A = arith.constant 4 : i32
        %eq3A = arith.constant 0 : i32
        %eq3A_340 = arith.cmpi eq, %jit3A, %eq3A : i32
        %jit3A_341 = arith.constant 1 : i32
        %select_n3A = arith.select %eq3A_340, %jit3A_341, %jit3A : i32
        %rem3A = arith.remsi %add3A_339, %select_n3A : i32
        %ne3A = arith.constant 0 : i32
        %ne3A_342 = arith.cmpi ne, %rem3A, %ne3A : i32
        %lt3A_343 = arith.constant 0 : i32
        %lt3A_344 = arith.cmpi slt, %rem3A, %lt3A_343 : i32
        %lt3A_345 = arith.constant 0 : i32
        %lt3A_346 = arith.cmpi slt, %select_n3A, %lt3A_345 : i32
        %ne3A_347 = arith.xori %lt3A_344, %lt3A_346 : i1
        %and3A = arith.andi %ne3A_347, %ne3A_342 : i1
        %add3A_348 = arith.addi %rem3A, %select_n3A : i32
        %select_n3A_349 = arith.select %and3A, %add3A_348, %rem3A : i32
        %dma_start3A_350 = arith.constant 0 : i32
        %dma_start3A_351 = arith.constant 0 : i32
        %dma_start3A_352 = arith.constant 0 : i32
        %dma_start3A_353 = tpu.memref_slice %arg7[%select_n3A_349, %dma_start3A_351, %dma_start3A_352] : memref<4x200x64xf32, #tpu.memory_space<vmem>> -> memref<1x100x64xf32, #tpu.memory_space<vmem>>
        %dma_start3A_354 = tpu.memref_squeeze %dma_start3A_353 : memref<1x100x64xf32, #tpu.memory_space<vmem>> -> memref<100x64xf32, #tpu.memory_space<vmem>>
        %dma_start3A_355 = arith.constant 0 : i32
        %dma_start3A_356 = tpu.memref_slice %arg6[%add3A_337, %dma_start3A_350, %dma_start3A_355] : memref<32x2x100xi32, #tpu.memory_space<vmem>> -> memref<1x1x100xi32, #tpu.memory_space<vmem>>
        %dma_start3A_357 = tpu.memref_squeeze %dma_start3A_356 : memref<1x1x100xi32, #tpu.memory_space<vmem>> -> memref<100xi32, #tpu.memory_space<vmem>>
        %dma_start3A_358 = arith.constant 0 : i32
        %dma_start3A_359 = arith.constant 0 : i32
        %dma_start3A_360 = tpu.memref_slice %arg3[%dma_start3A_358, %dma_start3A_359] : memref<1000000x64xf32, #tpu.memory_space<hbm>> -> memref<1000000x64xf32, #tpu.memory_space<hbm>>
        tpu.enqueue_indirect_dma source(%dma_start3A_360 : memref<1000000x64xf32, #tpu.memory_space<hbm>>) target(%dma_start3A_354 : memref<100x64xf32, #tpu.memory_space<vmem>>) offsets(%dma_start3A_357 : memref<100xi32, #tpu.memory_space<vmem>>) semaphore(%arg9 : memref<!tpu.dma_semaphore, #tpu.memory_space<semaphore_mem>>)
        %dma_start3A_361 = arith.constant 1 : i32
        %dma_start3A_362 = arith.constant 100 : i32
        %dma_start3A_363 = arith.constant 0 : i32
        %dma_start3A_364 = tpu.memref_slice %arg7[%select_n3A_349, %dma_start3A_362, %dma_start3A_363] : memref<4x200x64xf32, #tpu.memory_space<vmem>> -> memref<1x100x64xf32, #tpu.memory_space<vmem>>
        %dma_start3A_365 = tpu.memref_squeeze %dma_start3A_364 : memref<1x100x64xf32, #tpu.memory_space<vmem>> -> memref<100x64xf32, #tpu.memory_space<vmem>>
        %dma_start3A_366 = arith.constant 0 : i32
        %dma_start3A_367 = tpu.memref_slice %arg6[%add3A_337, %dma_start3A_361, %dma_start3A_366] : memref<32x2x100xi32, #tpu.memory_space<vmem>> -> memref<1x1x100xi32, #tpu.memory_space<vmem>>
        %dma_start3A_368 = tpu.memref_squeeze %dma_start3A_367 : memref<1x1x100xi32, #tpu.memory_space<vmem>> -> memref<100xi32, #tpu.memory_space<vmem>>
        %dma_start3A_369 = arith.constant 0 : i32
        %dma_start3A_370 = arith.constant 0 : i32
        %dma_start3A_371 = tpu.memref_slice %arg3[%dma_start3A_369, %dma_start3A_370] : memref<1000000x64xf32, #tpu.memory_space<hbm>> -> memref<1000000x64xf32, #tpu.memory_space<hbm>>
        tpu.enqueue_indirect_dma source(%dma_start3A_371 : memref<1000000x64xf32, #tpu.memory_space<hbm>>) target(%dma_start3A_365 : memref<100x64xf32, #tpu.memory_space<vmem>>) offsets(%dma_start3A_368 : memref<100xi32, #tpu.memory_space<vmem>>) semaphore(%arg9 : memref<!tpu.dma_semaphore, #tpu.memory_space<semaphore_mem>>)
      } else {
      }
      %dma_wait3A_291 = arith.constant 0 : i32
      %dma_wait3A_292 = arith.constant 3 : i32
      %dma_wait3A_293 = arith.constant 0 : i32
      %dma_wait3A_294 = arith.constant 0 : i32
      %dma_wait3A_295 = tpu.memref_slice %arg7[%dma_wait3A_292, %dma_wait3A_293, %dma_wait3A_294] : memref<4x200x64xf32, #tpu.memory_space<vmem>> -> memref<1x100x64xf32, #tpu.memory_space<vmem>>
      %dma_wait3A_296 = tpu.memref_squeeze %dma_wait3A_295 : memref<1x100x64xf32, #tpu.memory_space<vmem>> -> memref<100x64xf32, #tpu.memory_space<vmem>>
      %dma_wait3A_297 = arith.constant 0 : i32
      %dma_wait3A_298 = tpu.memref_slice %arg6[%add3A_278, %dma_wait3A_291, %dma_wait3A_297] : memref<32x2x100xi32, #tpu.memory_space<vmem>> -> memref<1x1x100xi32, #tpu.memory_space<vmem>>
      %dma_wait3A_299 = tpu.memref_squeeze %dma_wait3A_298 : memref<1x1x100xi32, #tpu.memory_space<vmem>> -> memref<100xi32, #tpu.memory_space<vmem>>
      %dma_wait3A_300 = arith.constant 0 : i32
      %dma_wait3A_301 = arith.constant 0 : i32
      %dma_wait3A_302 = tpu.memref_slice %arg3[%dma_wait3A_300, %dma_wait3A_301] : memref<1000000x64xf32, #tpu.memory_space<hbm>> -> memref<1000000x64xf32, #tpu.memory_space<hbm>>
      tpu.wait_indirect_dma semaphore(%arg9 : memref<!tpu.dma_semaphore, #tpu.memory_space<semaphore_mem>>) src(%dma_wait3A_302 : memref<1000000x64xf32, #tpu.memory_space<hbm>>) dst(%dma_wait3A_296 : memref<100x64xf32, #tpu.memory_space<vmem>>)
      %dma_wait3A_303 = arith.constant 1 : i32
      %dma_wait3A_304 = arith.constant 3 : i32
      %dma_wait3A_305 = arith.constant 100 : i32
      %dma_wait3A_306 = arith.constant 0 : i32
      %dma_wait3A_307 = tpu.memref_slice %arg7[%dma_wait3A_304, %dma_wait3A_305, %dma_wait3A_306] : memref<4x200x64xf32, #tpu.memory_space<vmem>> -> memref<1x100x64xf32, #tpu.memory_space<vmem>>
      %dma_wait3A_308 = tpu.memref_squeeze %dma_wait3A_307 : memref<1x100x64xf32, #tpu.memory_space<vmem>> -> memref<100x64xf32, #tpu.memory_space<vmem>>
      %dma_wait3A_309 = arith.constant 0 : i32
      %dma_wait3A_310 = tpu.memref_slice %arg6[%add3A_278, %dma_wait3A_303, %dma_wait3A_309] : memref<32x2x100xi32, #tpu.memory_space<vmem>> -> memref<1x1x100xi32, #tpu.memory_space<vmem>>
      %dma_wait3A_311 = tpu.memref_squeeze %dma_wait3A_310 : memref<1x1x100xi32, #tpu.memory_space<vmem>> -> memref<100xi32, #tpu.memory_space<vmem>>
      %dma_wait3A_312 = arith.constant 0 : i32
      %dma_wait3A_313 = arith.constant 0 : i32
      %dma_wait3A_314 = tpu.memref_slice %arg3[%dma_wait3A_312, %dma_wait3A_313] : memref<1000000x64xf32, #tpu.memory_space<hbm>> -> memref<1000000x64xf32, #tpu.memory_space<hbm>>
      tpu.wait_indirect_dma semaphore(%arg9 : memref<!tpu.dma_semaphore, #tpu.memory_space<semaphore_mem>>) src(%dma_wait3A_314 : memref<1000000x64xf32, #tpu.memory_space<hbm>>) dst(%dma_wait3A_308 : memref<100x64xf32, #tpu.memory_space<vmem>>)
      %parallel_loop3A_315 = arith.constant 0 : i32
      %parallel_loop3A_316 = arith.constant 200 : i32
      %parallel_loop3A_317 = arith.constant 1 : i32
      scf.for %parallel_loop3A_336 = %parallel_loop3A_315 to %parallel_loop3A_316 step %parallel_loop3A_317  : i32 {
        %parallel_loop3A_337 = arith.constant 3 : i32
        %parallel_loop3A_338 = arith.index_cast %parallel_loop3A_337 : i32 to index
        %parallel_loop3A_339 = arith.index_cast %parallel_loop3A_336 : i32 to index
        %parallel_loop3A_340 = arith.constant 0 : index
        %parallel_loop3A_341 = tpu.vector_load %arg7[%parallel_loop3A_338, %parallel_loop3A_339, %parallel_loop3A_340] {strides = array<i32>} : memref<4x200x64xf32, #tpu.memory_space<vmem>>, vector<1x1x16xf32>,
        %parallel_loop3A_342 = vector.shape_cast %parallel_loop3A_341 : vector<1x1x16xf32> to vector<16xf32>
        %parallel_loop3A_343 = arith.index_cast %parallel_loop3A_336 : i32 to index
        %parallel_loop3A_344 = arith.constant 0 : index
        %parallel_loop3A_345 = tpu.vector_load %arg8[%parallel_loop3A_343, %parallel_loop3A_344] {strides = array<i32>} : memref<200x64xf32, #tpu.memory_space<vmem>>, vector<1x16xf32>,
        %parallel_loop3A_346 = vector.shape_cast %parallel_loop3A_345 : vector<1x16xf32> to vector<16xf32>
        %parallel_loop3A_347 = arith.addf %parallel_loop3A_342, %parallel_loop3A_346 : vector<16xf32>
        %parallel_loop3A_348 = arith.constant 3 : i32
        %parallel_loop3A_349 = arith.index_cast %parallel_loop3A_348 : i32 to index
        %parallel_loop3A_350 = arith.index_cast %parallel_loop3A_336 : i32 to index
        %parallel_loop3A_351 = arith.constant 0 : index
        %parallel_loop3A_352 = tpu.vector_load %arg7[%parallel_loop3A_349, %parallel_loop3A_350, %parallel_loop3A_351] {strides = array<i32>} : memref<4x200x64xf32, #tpu.memory_space<vmem>>, vector<1x1x16xf32>,
        %parallel_loop3A_353 = vector.shape_cast %parallel_loop3A_352 : vector<1x1x16xf32> to vector<16xf32>
        %parallel_loop3A_354 = vector.shape_cast %parallel_loop3A_347 : vector<16xf32> to vector<1x1x16xf32>
        tpu.vector_store %arg7[%parallel_loop3A_349, %parallel_loop3A_350, %parallel_loop3A_351], %parallel_loop3A_354 {strides = array<i32>} : memref<4x200x64xf32, #tpu.memory_space<vmem>>, vector<1x1x16xf32>,
        %parallel_loop3A_355 = arith.constant 3 : i32
        %parallel_loop3A_356 = arith.index_cast %parallel_loop3A_355 : i32 to index
        %parallel_loop3A_357 = arith.index_cast %parallel_loop3A_336 : i32 to index
        %parallel_loop3A_358 = arith.constant 16 : index
        %parallel_loop3A_359 = tpu.vector_load %arg7[%parallel_loop3A_356, %parallel_loop3A_357, %parallel_loop3A_358] {strides = array<i32>} : memref<4x200x64xf32, #tpu.memory_space<vmem>>, vector<1x1x16xf32>,
        %parallel_loop3A_360 = vector.shape_cast %parallel_loop3A_359 : vector<1x1x16xf32> to vector<16xf32>
        %parallel_loop3A_361 = arith.index_cast %parallel_loop3A_336 : i32 to index
        %parallel_loop3A_362 = arith.constant 16 : index
        %parallel_loop3A_363 = tpu.vector_load %arg8[%parallel_loop3A_361, %parallel_loop3A_362] {strides = array<i32>} : memref<200x64xf32, #tpu.memory_space<vmem>>, vector<1x16xf32>,
        %parallel_loop3A_364 = vector.shape_cast %parallel_loop3A_363 : vector<1x16xf32> to vector<16xf32>
        %parallel_loop3A_365 = arith.addf %parallel_loop3A_360, %parallel_loop3A_364 : vector<16xf32>
        %parallel_loop3A_366 = arith.constant 3 : i32
        %parallel_loop3A_367 = arith.index_cast %parallel_loop3A_366 : i32 to index
        %parallel_loop3A_368 = arith.index_cast %parallel_loop3A_336 : i32 to index
        %parallel_loop3A_369 = arith.constant 16 : index
        %parallel_loop3A_370 = tpu.vector_load %arg7[%parallel_loop3A_367, %parallel_loop3A_368, %parallel_loop3A_369] {strides = array<i32>} : memref<4x200x64xf32, #tpu.memory_space<vmem>>, vector<1x1x16xf32>,
        %parallel_loop3A_371 = vector.shape_cast %parallel_loop3A_370 : vector<1x1x16xf32> to vector<16xf32>
        %parallel_loop3A_372 = vector.shape_cast %parallel_loop3A_365 : vector<16xf32> to vector<1x1x16xf32>
        tpu.vector_store %arg7[%parallel_loop3A_367, %parallel_loop3A_368, %parallel_loop3A_369], %parallel_loop3A_372 {strides = array<i32>} : memref<4x200x64xf32, #tpu.memory_space<vmem>>, vector<1x1x16xf32>,
        %parallel_loop3A_373 = arith.constant 3 : i32
        %parallel_loop3A_374 = arith.index_cast %parallel_loop3A_373 : i32 to index
        %parallel_loop3A_375 = arith.index_cast %parallel_loop3A_336 : i32 to index
        %parallel_loop3A_376 = arith.constant 32 : index
        %parallel_loop3A_377 = tpu.vector_load %arg7[%parallel_loop3A_374, %parallel_loop3A_375, %parallel_loop3A_376] {strides = array<i32>} : memref<4x200x64xf32, #tpu.memory_space<vmem>>, vector<1x1x16xf32>,
        %parallel_loop3A_378 = vector.shape_cast %parallel_loop3A_377 : vector<1x1x16xf32> to vector<16xf32>
        %parallel_loop3A_379 = arith.index_cast %parallel_loop3A_336 : i32 to index
        %parallel_loop3A_380 = arith.constant 32 : index
        %parallel_loop3A_381 = tpu.vector_load %arg8[%parallel_loop3A_379, %parallel_loop3A_380] {strides = array<i32>} : memref<200x64xf32, #tpu.memory_space<vmem>>, vector<1x16xf32>,
        %parallel_loop3A_382 = vector.shape_cast %parallel_loop3A_381 : vector<1x16xf32> to vector<16xf32>
        %parallel_loop3A_383 = arith.addf %parallel_loop3A_378, %parallel_loop3A_382 : vector<16xf32>
        %parallel_loop3A_384 = arith.constant 3 : i32
        %parallel_loop3A_385 = arith.index_cast %parallel_loop3A_384 : i32 to index
        %parallel_loop3A_386 = arith.index_cast %parallel_loop3A_336 : i32 to index
        %parallel_loop3A_387 = arith.constant 32 : index
        %parallel_loop3A_388 = tpu.vector_load %arg7[%parallel_loop3A_385, %parallel_loop3A_386, %parallel_loop3A_387] {strides = array<i32>} : memref<4x200x64xf32, #tpu.memory_space<vmem>>, vector<1x1x16xf32>,
        %parallel_loop3A_389 = vector.shape_cast %parallel_loop3A_388 : vector<1x1x16xf32> to vector<16xf32>
        %parallel_loop3A_390 = vector.shape_cast %parallel_loop3A_383 : vector<16xf32> to vector<1x1x16xf32>
        tpu.vector_store %arg7[%parallel_loop3A_385, %parallel_loop3A_386, %parallel_loop3A_387], %parallel_loop3A_390 {strides = array<i32>} : memref<4x200x64xf32, #tpu.memory_space<vmem>>, vector<1x1x16xf32>,
        %parallel_loop3A_391 = arith.constant 3 : i32
        %parallel_loop3A_392 = arith.index_cast %parallel_loop3A_391 : i32 to index
        %parallel_loop3A_393 = arith.index_cast %parallel_loop3A_336 : i32 to index
        %parallel_loop3A_394 = arith.constant 48 : index
        %parallel_loop3A_395 = tpu.vector_load %arg7[%parallel_loop3A_392, %parallel_loop3A_393, %parallel_loop3A_394] {strides = array<i32>} : memref<4x200x64xf32, #tpu.memory_space<vmem>>, vector<1x1x16xf32>,
        %parallel_loop3A_396 = vector.shape_cast %parallel_loop3A_395 : vector<1x1x16xf32> to vector<16xf32>
        %parallel_loop3A_397 = arith.index_cast %parallel_loop3A_336 : i32 to index
        %parallel_loop3A_398 = arith.constant 48 : index
        %parallel_loop3A_399 = tpu.vector_load %arg8[%parallel_loop3A_397, %parallel_loop3A_398] {strides = array<i32>} : memref<200x64xf32, #tpu.memory_space<vmem>>, vector<1x16xf32>,
        %parallel_loop3A_400 = vector.shape_cast %parallel_loop3A_399 : vector<1x16xf32> to vector<16xf32>
        %parallel_loop3A_401 = arith.addf %parallel_loop3A_396, %parallel_loop3A_400 : vector<16xf32>
        %parallel_loop3A_402 = arith.constant 3 : i32
        %parallel_loop3A_403 = arith.index_cast %parallel_loop3A_402 : i32 to index
        %parallel_loop3A_404 = arith.index_cast %parallel_loop3A_336 : i32 to index
        %parallel_loop3A_405 = arith.constant 48 : index
        %parallel_loop3A_406 = tpu.vector_load %arg7[%parallel_loop3A_403, %parallel_loop3A_404, %parallel_loop3A_405] {strides = array<i32>} : memref<4x200x64xf32, #tpu.memory_space<vmem>>, vector<1x1x16xf32>,
        %parallel_loop3A_407 = vector.shape_cast %parallel_loop3A_406 : vector<1x1x16xf32> to vector<16xf32>
        %parallel_loop3A_408 = vector.shape_cast %parallel_loop3A_401 : vector<16xf32> to vector<1x1x16xf32>
        tpu.vector_store %arg7[%parallel_loop3A_403, %parallel_loop3A_404, %parallel_loop3A_405], %parallel_loop3A_408 {strides = array<i32>} : memref<4x200x64xf32, #tpu.memory_space<vmem>>, vector<1x1x16xf32>,
      } {sc.loop_unroll_factor = 4 : i64, sc.parallel_access}
      %add3A_318 = arith.addi %mul3A_2, %add3A_278 : i32
      %dma_start3A_319 = arith.constant 3 : i32
      %dma_start3A_320 = arith.constant 0 : i32
      %dma_start3A_321 = arith.constant 0 : i32
      %dma_start3A_322 = tpu.memref_slice %arg7[%dma_start3A_319, %dma_start3A_320, %dma_start3A_321] : memref<4x200x64xf32, #tpu.memory_space<vmem>> -> memref<1x200x64xf32, #tpu.memory_space<vmem>>
      %dma_start3A_323 = tpu.memref_squeeze %dma_start3A_322 : memref<1x200x64xf32, #tpu.memory_space<vmem>> -> memref<200x64xf32, #tpu.memory_space<vmem>>
      %dma_start3A_324 = arith.constant 0 : i32
      %dma_start3A_325 = arith.constant 0 : i32
      %dma_start3A_326 = tpu.memref_slice %arg5[%add3A_318, %dma_start3A_324, %dma_start3A_325] : memref<1024x200x64xf32, #tpu.memory_space<hbm>> -> memref<1x200x64xf32, #tpu.memory_space<hbm>>
      %dma_start3A_327 = tpu.memref_squeeze %dma_start3A_326 : memref<1x200x64xf32, #tpu.memory_space<hbm>> -> memref<200x64xf32, #tpu.memory_space<hbm>>
      %dma_start3A_328 = arith.constant 0 : i32
      %dma_start3A_329 = arith.constant 0 : i32
      %dma_start3A_330 = tpu.memref_slice %arg5[%add3A_318, %dma_start3A_328, %dma_start3A_329] : memref<1024x200x64xf32, #tpu.memory_space<hbm>> -> memref<1x200x64xf32, #tpu.memory_space<hbm>>
      %dma_start3A_331 = tpu.memref_squeeze %dma_start3A_330 : memref<1x200x64xf32, #tpu.memory_space<hbm>> -> memref<200x64xf32, #tpu.memory_space<hbm>>
      %dma_start3A_332 = arith.constant 0 : i32
      %dma_start3A_333 = arith.constant 0 : i32
      %dma_start3A_334 = tpu.memref_slice %arg7[%dma_start3A_319, %dma_start3A_332, %dma_start3A_333] : memref<4x200x64xf32, #tpu.memory_space<vmem>> -> memref<1x200x64xf32, #tpu.memory_space<vmem>>
      %dma_start3A_335 = tpu.memref_squeeze %dma_start3A_334 : memref<1x200x64xf32, #tpu.memory_space<vmem>> -> memref<200x64xf32, #tpu.memory_space<vmem>>
      tpu.enqueue_dma source(%dma_start3A_335 : memref<200x64xf32, #tpu.memory_space<vmem>>) target(%dma_start3A_331 : memref<200x64xf32, #tpu.memory_space<hbm>>) target_semaphore(%arg10 : memref<!tpu.dma_semaphore, #tpu.memory_space<semaphore_mem>>)
    }
    %scan3A_58 = arith.constant 8 : i32
    %add3A_59 = arith.constant 30 : i32
    %add3A_60 = arith.addi %mul3A_2, %add3A_59 : i32
    %dma_wait3A = arith.constant 2 : i32
    %dma_wait3A_61 = arith.constant 0 : i32
    %dma_wait3A_62 = arith.constant 0 : i32
    %dma_wait3A_63 = tpu.memref_slice %arg7[%dma_wait3A, %dma_wait3A_61, %dma_wait3A_62] : memref<4x200x64xf32, #tpu.memory_space<vmem>> -> memref<1x200x64xf32, #tpu.memory_space<vmem>>
    %dma_wait3A_64 = tpu.memref_squeeze %dma_wait3A_63 : memref<1x200x64xf32, #tpu.memory_space<vmem>> -> memref<200x64xf32, #tpu.memory_space<vmem>>
    %dma_wait3A_65 = arith.constant 0 : i32
    %dma_wait3A_66 = arith.constant 0 : i32
    %dma_wait3A_67 = tpu.memref_slice %arg5[%add3A_60, %dma_wait3A_65, %dma_wait3A_66] : memref<1024x200x64xf32, #tpu.memory_space<hbm>> -> memref<1x200x64xf32, #tpu.memory_space<hbm>>
    %dma_wait3A_68 = tpu.memref_squeeze %dma_wait3A_67 : memref<1x200x64xf32, #tpu.memory_space<hbm>> -> memref<200x64xf32, #tpu.memory_space<hbm>>
    %dma_wait3A_69 = arith.constant 0 : i32
    %dma_wait3A_70 = arith.constant 0 : i32
    %dma_wait3A_71 = tpu.memref_slice %arg5[%add3A_60, %dma_wait3A_69, %dma_wait3A_70] : memref<1024x200x64xf32, #tpu.memory_space<hbm>> -> memref<1x200x64xf32, #tpu.memory_space<hbm>>
    %dma_wait3A_72 = tpu.memref_squeeze %dma_wait3A_71 : memref<1x200x64xf32, #tpu.memory_space<hbm>> -> memref<200x64xf32, #tpu.memory_space<hbm>>
    %dma_wait3A_73 = arith.constant 0 : i32
    %dma_wait3A_74 = arith.constant 0 : i32
    %dma_wait3A_75 = tpu.memref_slice %arg7[%dma_wait3A, %dma_wait3A_73, %dma_wait3A_74] : memref<4x200x64xf32, #tpu.memory_space<vmem>> -> memref<1x200x64xf32, #tpu.memory_space<vmem>>
    %dma_wait3A_76 = tpu.memref_squeeze %dma_wait3A_75 : memref<1x200x64xf32, #tpu.memory_space<vmem>> -> memref<200x64xf32, #tpu.memory_space<vmem>>
    tpu.wait_dma2 semaphore(%arg10 : memref<!tpu.dma_semaphore, #tpu.memory_space<semaphore_mem>>) src(%dma_wait3A_76 : memref<200x64xf32, #tpu.memory_space<vmem>>) dst(%dma_wait3A_72 : memref<200x64xf32, #tpu.memory_space<hbm>>)
    %add3A_77 = arith.constant 31 : i32
    %add3A_78 = arith.addi %mul3A_2, %add3A_77 : i32
    %dma_wait3A_79 = arith.constant 3 : i32
    %dma_wait3A_80 = arith.constant 0 : i32
    %dma_wait3A_81 = arith.constant 0 : i32
    %dma_wait3A_82 = tpu.memref_slice %arg7[%dma_wait3A_79, %dma_wait3A_80, %dma_wait3A_81] : memref<4x200x64xf32, #tpu.memory_space<vmem>> -> memref<1x200x64xf32, #tpu.memory_space<vmem>>
    %dma_wait3A_83 = tpu.memref_squeeze %dma_wait3A_82 : memref<1x200x64xf32, #tpu.memory_space<vmem>> -> memref<200x64xf32, #tpu.memory_space<vmem>>
    %dma_wait3A_84 = arith.constant 0 : i32
    %dma_wait3A_85 = arith.constant 0 : i32
    %dma_wait3A_86 = tpu.memref_slice %arg5[%add3A_78, %dma_wait3A_84, %dma_wait3A_85] : memref<1024x200x64xf32, #tpu.memory_space<hbm>> -> memref<1x200x64xf32, #tpu.memory_space<hbm>>
    %dma_wait3A_87 = tpu.memref_squeeze %dma_wait3A_86 : memref<1x200x64xf32, #tpu.memory_space<hbm>> -> memref<200x64xf32, #tpu.memory_space<hbm>>
    %dma_wait3A_88 = arith.constant 0 : i32
    %dma_wait3A_89 = arith.constant 0 : i32
    %dma_wait3A_90 = tpu.memref_slice %arg5[%add3A_78, %dma_wait3A_88, %dma_wait3A_89] : memref<1024x200x64xf32, #tpu.memory_space<hbm>> -> memref<1x200x64xf32, #tpu.memory_space<hbm>>
    %dma_wait3A_91 = tpu.memref_squeeze %dma_wait3A_90 : memref<1x200x64xf32, #tpu.memory_space<hbm>> -> memref<200x64xf32, #tpu.memory_space<hbm>>
    %dma_wait3A_92 = arith.constant 0 : i32
    %dma_wait3A_93 = arith.constant 0 : i32
    %dma_wait3A_94 = tpu.memref_slice %arg7[%dma_wait3A_79, %dma_wait3A_92, %dma_wait3A_93] : memref<4x200x64xf32, #tpu.memory_space<vmem>> -> memref<1x200x64xf32, #tpu.memory_space<vmem>>
    %dma_wait3A_95 = tpu.memref_squeeze %dma_wait3A_94 : memref<1x200x64xf32, #tpu.memory_space<vmem>> -> memref<200x64xf32, #tpu.memory_space<vmem>>
    tpu.wait_dma2 semaphore(%arg10 : memref<!tpu.dma_semaphore, #tpu.memory_space<semaphore_mem>>) src(%dma_wait3A_95 : memref<200x64xf32, #tpu.memory_space<vmem>>) dst(%dma_wait3A_91 : memref<200x64xf32, #tpu.memory_space<hbm>>)
    return
  }
}

</mosaic_0001>

<sc_bundles>
// kernel: kernel.3.cloned.1.call-start
scs
__scs_entry_jumppad:
0x0: {  	(pc) =	sbr.rel $0x88, $3  }
0x1: {  	(tag) =	ssettag $0x0;
	lr =	simm.s32 $0x1  }
0x2: {  	[smem:$0x3F9E] =	sst lr;
	_ =	strace $0xD0000000  }
0x3: {  	_ = 	snop  }
0x4: {  	_ = 	snop  }
0x5: {  	_ = 	snop  }
0x6: {  	_ = 	snop  }
0x7: {  	_ = 	snop  }
__scs_overlays_trampoline_lowered:
0x8: {  	[smem:$0x3FAD] =	sst s0  }
0x9: {  	[smem:$0x3FAE] =	sst s1  }
0xa: {  	[smem:$0x3FAF] =	sst s2  }
0xb: {  	[smem:$0x3FB0] =	sst s3  }
0xc: {  	[smem:$0x3FB1] =	sst s4  }
0xd: {  	[smem:$0x3FB2] =	sst s5  }
0xe: {  	[smem:$0x3FB3] =	sst s6  }
0xf: {  	[smem:$0x3FB4] =	sst s7  }
0x10: {  	[smem:$0x3FB5] =	sst s8  }
0x11: {  	[smem:$0x3FB6] =	sst s9;
	s0 =	simm.s32 @!p0 $0x0  }
0x12: {  	s1 =	sld [smem:$0x3F9C];
	s0 =	simm.s32 @p0 $0x1  }
0x13: {  	[smem:$0x3FB7] =	sst s0;
	s0 =	simm.s32 @!p1 $0x0  }
0x14: {  	s2 =	sld [smem:$0x3F9B];
	s0 =	simm.s32 @p1 $0x1  }
0x15: {  	[smem:$0x3FB8] =	sst s0;
	s0 =	simm.s32 @!p2 $0x0  }
0x16: {  	s3 =	sld [smem:$0x3FDB];
	s0 =	simm.s32 @p2 $0x1  }
0x17: {  	s4 =	simm.s32 $0x1BF5;
	[smem:$0x3FBA] =	sst s0  }
0x18: {  	s0 =	sld [smem:$0x3F9D];
	_ =	swait.ge [sflag:s4], $0x0  }
0x19: {  	s7 =	sld [smem:$0x3F9E]  }
0x1a: {  	s8 =	sadd.s32 $0xFFFFE003, lr  }
0x1b: {  	s9 =	sadd.s32 $0xFFFFFEF7, lr;
	s5 =	simm.s32 $0xFFFFFFFF;
	p2 =	slt.u32 s8, $0xFFFFF086  }
0x1c: {  	p1 =	slt.u32 s9, $0xF7A;
	s5 =	simm.s32 @!p2 $0x0  }
0x1d: {  	s5 =	simm.s32 @p1 $0x1;
	p0 =	seq.s32 s7, s2  }
0x1e: {  	s7 =	smul.u32 @!p0 $0xF7A, s2;
	p2 =	seq.s32 @!p0 s5, $0x0  }
0x1f: {  	s9 =	smul.u32 $0xF7A, s1;
	s8 =	simm.s32 @!p0 $0x1BF5;
	p2 =	por !p2, p0  }
0x20: {  	[sflag:s8] =	ssyncset.s32 @!p0 $0xFFFFF086;
	s6 =	sadd.s32 @!p0 s3, s7;
	s7 =	simm.s32 @!p0 $0x108  }
0x21: {  	s3 =	sadd.s32 s3, s9;
	s6 =	sadd.s32 @!p0 $0x88, s6;
	s7 =	simm.s32 @p2 $0x1082  }
0x22: {  	[simem:s7], [sflag:s8] =	dma.local @!p0 [hbm:s6], $0xF7A  }
0x23: {  	s9 =	sor.u32 $0xD0000000, s2;
	s6 =	simm.s32 $0x108;
	_ =	swait.ge @!p0 [sflag:s8], $0x0  }
0x24: {  	s3 =	sadd.s32 $0x88, s3;
	s6 =	simm.s32 @!p1 $0x1082;
	[sflag:s4] =	ssyncset.s32 $0xFFFFF086  }
0x25: {  	[simem:s6], [sflag:s4] =	dma.local [hbm:s3], $0xF7A  }
0x26: {  	[smem:$0x3F9E] =	sst s1;
	(tag) =	ssettag s2;
	_ =	strace s9  }
0x27: {  	s1 =	sld [smem:$0x3FAE]  }
0x28: {  	s2 =	sld [smem:$0x3FAF]  }
0x29: {  	s4 =	sld [smem:$0x3FB1]  }
0x2a: {  	p0 =	seq.s32 s5, $0x0;
	s5 =	sld [smem:$0x3FB2]  }
0x2b: {  	s6 =	sld [smem:$0x3FB3]  }
0x2c: {  	s7 =	sld [smem:$0x3FB4]  }
0x2d: {  	s3 =	simm.s32 $0x108;
	s8 =	sld [smem:$0x3FB5]  }
0x2e: {  	s3 =	simm.s32 @!p0 $0x1082;
	s9 =	sld [smem:$0x3FB6]  }
0x2f: {  	lr =	sadd.s32 s0, s3;
	s0 =	sld [smem:$0x3FAD]  }
0x30: {  	s3 =	sld [smem:$0x3FB0]  }
0x31: {  	[smem:$0x3FB9] =	sst s10  }
0x32: {  	s10 =	sld [smem:$0x3FB7];
	_ =	sdelay $0x3  }
0x33: {  	p0 =	seq.s32 s10, $0x1;
	s10 =	sld [smem:$0x3FB9];
	_ =	sdelay $0x3  }
0x34: {  	[smem:$0x3FB9] =	sst s10  }
0x35: {  	s10 =	sld [smem:$0x3FB8];
	_ =	sdelay $0x3  }
0x36: {  	p1 =	seq.s32 s10, $0x1;
	s10 =	sld [smem:$0x3FB9];
	_ =	sdelay $0x3  }
0x37: {  	[smem:$0x3FB9] =	sst s10  }
0x38: {  	s10 =	sld [smem:$0x3FBA]  }
0x39: {  	_ = 	snop;
	(pc) =	sbr.ind lr, $3  }
0x3a: {  	_ = 	snop  }
0x3b: {  	_ = 	snop  }
0x3c: {  	p2 =	seq.s32 s10, $0x1;
	s10 =	sld [smem:$0x3FB9]  }
0x3d: {  	_ =	shalt  }
0x3e: {  	_ =	shalt  }
0x3f: {  	_ =	shalt  }
0x40: {  	_ =	shalt  }
0x41: {  	_ =	shalt  }
0x42: {  	_ =	shalt  }
0x43: {  	_ =	shalt  }
0x44: {  	_ =	shalt  }
0x45: {  	_ =	shalt  }
0x46: {  	_ =	shalt  }
0x47: {  	_ =	shalt  }
0x48: {  	_ =	shalt  }
0x49: {  	_ =	shalt  }
0x4a: {  	_ =	shalt  }
0x4b: {  	_ =	shalt  }
0x4c: {  	_ =	shalt  }
0x4d: {  	_ =	shalt  }
0x4e: {  	_ =	shalt  }
0x4f: {  	_ =	shalt  }
0x50: {  	_ =	shalt  }
0x51: {  	_ =	shalt  }
0x52: {  	_ =	shalt  }
0x53: {  	_ =	shalt  }
0x54: {  	_ =	shalt  }
0x55: {  	_ =	shalt  }
0x56: {  	_ =	shalt  }
0x57: {  	_ =	shalt  }
0x58: {  	_ =	shalt  }
0x59: {  	_ =	shalt  }
0x5a: {  	_ =	shalt  }
0x5b: {  	_ =	shalt  }
0x5c: {  	_ =	shalt  }
0x5d: {  	_ =	shalt  }
0x5e: {  	_ =	shalt  }
0x5f: {  	_ =	shalt  }
0x60: {  	_ =	shalt  }
0x61: {  	_ =	shalt  }
0x62: {  	_ =	shalt  }
0x63: {  	_ =	shalt  }
0x64: {  	_ =	shalt  }
0x65: {  	_ =	shalt  }
0x66: {  	_ =	shalt  }
0x67: {  	_ =	shalt  }
0x68: {  	_ =	shalt  }
0x69: {  	_ =	shalt  }
0x6a: {  	_ =	shalt  }
0x6b: {  	_ =	shalt  }
0x6c: {  	_ =	shalt  }
0x6d: {  	_ =	shalt  }
0x6e: {  	_ =	shalt  }
0x6f: {  	_ =	shalt  }
0x70: {  	_ =	shalt  }
0x71: {  	_ =	shalt  }
0x72: {  	_ =	shalt  }
0x73: {  	_ =	shalt  }
0x74: {  	_ =	shalt  }
0x75: {  	_ =	shalt  }
0x76: {  	_ =	shalt  }
0x77: {  	_ =	shalt  }
0x78: {  	_ =	shalt  }
0x79: {  	_ =	shalt  }
0x7a: {  	_ =	shalt  }
0x7b: {  	_ =	shalt  }
0x7c: {  	_ =	shalt  }
0x7d: {  	_ =	shalt  }
0x7e: {  	_ =	shalt  }
0x7f: {  	_ =	shalt  }
0x80: {  	_ =	shalt  }
0x81: {  	_ =	shalt  }
0x82: {  	_ =	shalt  }
0x83: {  	_ =	shalt  }
0x84: {  	_ =	shalt  }
0x85: {  	_ =	shalt  }
0x86: {  	_ =	shalt  }
0x87: {  	_ =	shalt  }
.Lfunc_end0:
.L_simem_size_0:
called_computation.1_lowered:
.L_overlay_start_0:
0x88: {  	s2 =	sld [smem:$0x3FD9]  }
0x89: {  	s3 =	sld [smem:$0x3FFE];
	_ =	sdelay $0x1  }
0x8a: {  	s1 =	srdreg.scid  }
0x8b: {  	s0 =	sand.u32 $0x1, s1  }
0x8c: {  	s17 =	sshll.u32 s0, $0xA;
	s2 =	sadd.s32 s3, s2  }
0x8d: {  	s2 =	sadd.s32 s2, s17  }
0x8e: {  	[smem:$0x3FC5] =	sst s2  }
0x8f: {  	_ = 	snop  }
0x90: {  	s2 =	sld [smem:$0x3FD0];
	(tm) =	ssettm $0x1  }
0x91: {  	s18 =	sld [smem:$0x3FFB];
	_ =	sdelay $0x3  }
0x92: {  	_ =	strace s18  }
0x93: {  	s3 =	sld [smem:$0x3FFC];
	_ =	sdelay $0x3  }
0x94: {  	_ =	strace s3  }
0x95: {  	s3 =	sld [smem:$0x3FFD];
	_ =	sdelay $0x3  }
0x96: {  	_ =	strace s3  }
0x97: {  	_ =	strace $0x8FFFFFFF  }
0x98: {  	s19 =	sld [smem:$0x3FDB];
	_ =	sdelay $0x1  }
0x99: {  	s4 =	simm.s32 $_scs_section_size  }
0x9a: {  	s5 =	simm.s32 $_size__tile_overlayer_lowered;
	s6 =	simm.s32 $_tile_overlayer_lowered  }
0x9b: {  	s22 =	simm.s32 $0x1BFF;
	s21 =	sshll.u32 s6, $0x1;
	s3 =	sadd.s32 s4, s19  }
0x9c: {  	s7 =	simm.s32 $0x0;
	s20 =	sshll.u32 s5, $0x1;
	s5 =	sadd.s32 s21, s3  }
0x9d: {  	[timem:s7], [sflag:s22] =	dma.local [hbm:s5], s20  }
0x9e: {  	_ =	swait.ge [sflag:s22], s20  }
0x9f: {  	s4 =	ssub.s32 $0x0, s20;
	[sflag:s22] =	ssyncset.done $0x0  }
0xa0: {  	[sflag:s22] =	ssyncadd.s32 s4;
	_ =	sdelay $0x1  }
0xa1: {  	s23 =	simm.s32 $0x1B8B  }
0xa2: {  	_ =	swait.ge [sflag:s23], $0x1  }
0xa3: {  	[sflag:s23] =	ssyncset.done $0x0  }
0xa4: {  	s25 =	simm.s32 $0x1B8E;
	s24 =	sld [smem:$0x3FFE];
	[sflag:s23] =	ssyncadd.s32 $0xFFFFFFFF  }
0xa5: {  	s26 =	simm.s32 $execute0_lowered;
	[smem:$0x3FD2] =	sst s25  }
0xa6: {  	s5 =	sshll.u32 s26, $0x1;
	_ =	strace $0x80000046;
	[dreg:$0x1] =	wrdreg $0xFFFFFFFF  }
0xa7: {  	s28 =	simm.s32 $_size_execute0_lowered;
	s3 =	sadd.s32 s3, s5;
	[dreg:$0x0] =	wrdreg $0x0  }
0xa8: {  	s5 =	sshll.u32 s28, $0x1;
	[dreg:$0x2] =	wrdreg s3  }
0xa9: {  	[dreg:$0x3] =	wrdreg s5  }
0xaa: {  	[dreg:$0x4] =	wrdreg $0xC0  }
0xab: {  	_ =	task [dreg:s7], $0x5FFFF  }
0xac: {  	[dreg:$0x1] =	wrdreg $0xFFFFFFFF  }
0xad: {  	[dreg:$0x0] =	wrdreg $0x60  }
0xae: {  	[dreg:$0x2] =	wrdreg s24  }
0xaf: {  	[dreg:$0x3] =	wrdreg s2  }
0xb0: {  	[dreg:$0x4] =	wrdreg $0x9  }
0xb1: {  	_ =	task.clear_ibuf [dreg:s7], $0x5FFFF;
	_ =	strace $0x90000046  }
0xb2: {  	s29 =	simm.s32 $0x9;
	_ =	strace $0x80000048  }
0xb3: {  	_ =	swait.ge [sflag:s29], $0x1  }
0xb4: {  	[sflag:s29] =	ssyncadd.s32 $0xFFFFFFFF  }
0xb5: {  	_ =	strace $0x90000048  }
0xb6: {  	_ =	sfence  }
0xb7: {  	s30 =	sld [smem:$0x0];
	_ =	sdelay $0x2  }
0xb8: {  	s31 =	sshll.u32 s1, $0xD;
	s1 =	sshrl.u32 s1, $0x2  }
0xb9: {  	s3 =	sand.u32 $0x4000, s31;
	s1 =	sadd.s32 s1, s30  }
0xba: {  	s0 =	sor.u32 s3, s0;
	s1 =	sshll.u32 s1, $0x11  }
0xbb: {  	s0 =	sor.u32 s1, s0  }
0xbc: {  	s0 =	sadd.s32 $0x8F2B, s0  }
0xbd: {  	[sflag:s0] =	ssyncadd.remote.s32 $0x1  }
0xbe: {  	_ =	sfence.sel $0xFFFF  }
0xbf: {  	[dreg:$0x0] =	wrdreg $0xFFFFFFFF;
	(pc) =	sbr.abs _section_cstart, $3  }
0xc0: {  	[dreg:$0x1] =	wrdreg $0xFFFFFFFF  }
0xc1: {  	_ =	task.clear_ibuf [dreg:s7], $0x2FFFF;
	_ =	strace $0x9FFFFFFF  }
0xc2: {  	(tm) =	ssettm $0x7FFFFFFF  }
0xc3: {  	_ =	shalt  }
tec
execute0_lowered:
.L_overlay_start_1:
0x0: {  	(tag) =	ssettag $0x1  }
0x1: {  	s0 =	srdreg.scid  }
0x2: {  	s1 =	rddreg [dreg:$0x0];
	s3 =	stileid.u32  }
0x3: {  	s2 =	rddreg [dreg:$0x1];
	s10 =	simm.s32 $0x3;
	s11 =	simm.s32 $0x64  }
0x4: {  	s12 =	simm.s32 $0x1A00;
	s13 =	simm.s32 $0x68;
	s14 =	simm.s32 $0x3300  }
0x5: {  	s15 =	simm.s32 $0xD0;
	s16 =	simm.s32 $0x4C00;
	s17 =	simm.s32 $0x138  }
0x6: {  	s18 =	simm.s32 $0x6500;
	s19 =	simm.s32 $0x7E00;
	s20 =	simm.s32 $0x9700  }
0x7: {  	s21 =	simm.s32 $0x1;
	s22 =	simm.s32 $0xB000;
	s0 =	sand.u32 $0x1, s0  }
0x8: {  	s23 =	simm.s32 $0xC900;
	s4 =	sshll.u32 s3, $0x6;
	s5 =	sshll.u32 s0, $0x5  }
0x9: {  	s24 =	simm.s32 $0x2;
	s25 =	simm.s32 $0x0;
	s4 =	sor.u32 s5, s4  }
0xa: {  	s3 =	simm.s32 $0x0;
	s0 =	ssub.s32 $0x2, s0;
	s5 =	smul.u32 $0x1A, s4  }
0xb: {  	s6 =	sadd.s32 $0x7400, s1;
	[smem:$0x7FF] =	sst s3;
	s8 =	sshrl.u32 s0, $0x1  }
0xc: {  	_ =	strace $0x80000047;
	s0 =	ssub.s32 s0, s8;
	s7 =	sadd.s32 s5, s1  }
0xd: {  	s8 =	smax.u32 s0, $0x1;
	s5 =	sadd.s32 $0xF43000, s1;
	s7 =	sadd.s32 $0xC00, s7  }
.LBB2_1:
0xe: {  	s0 =	simm.s32 $0xE200  }
0xf: {  	[tilespmem:s0], [sflag:$0x3] =	stream.linear.gather [hbm4b:s6+s3], $0x3200, $0x38;
	[tilespmem:$0x11400] =	vst v63  }
0x10: {  	_ =	swait.ge [sflag:s10], $0x3200  }
0x11: {  	[sflag:s10] =	ssyncset.done $0x0  }
0x12: {  	[sflag:s10] =	ssyncadd.s32 $0xFFFFCE00  }
0x13: {  	[tilespmem:s3], [sflag:$0x3] =	stream.linear.gather [hbm4b:s7+s3], $0x1A00, $0x38;
	[tilespmem:$0x11400] =	vst v63  }
0x14: {  	_ =	swait.ge [sflag:s10], $0x1A00  }
0x15: {  	[sflag:s10] =	ssyncset.done $0x0  }
0x16: {  	[sflag:s10] =	ssyncadd.s32 $0xFFFFE600  }
0x17: {  	[tilespmem:s12], [sflag:$0x1] =	stream.indirect.gather [hbm4b:s5+s11], $0x40, s3, s11, $0xb8;
	[tilespmem:$0x11400] =	vst v63  }
0x18: {  	_ = 	snop  }
0x19: {  	[tilespmem:s14], [sflag:$0x1] =	stream.indirect.gather [hbm4b:s5+s11], $0x40, s13, s11, $0xb8;
	[tilespmem:$0x11400] =	vst v63  }
0x1a: {  	_ = 	snop  }
0x1b: {  	[tilespmem:s16], [sflag:$0x1] =	stream.indirect.gather [hbm4b:s5+s11], $0x40, s15, s11, $0xb8;
	[tilespmem:$0x11400] =	vst v63  }
0x1c: {  	s26 =	simm.s32 $0x0  }
0x1d: {  	[tilespmem:s18], [sflag:$0x1] =	stream.indirect.gather [hbm4b:s5+s11], $0x40, s17, s11, $0xb8;
	[tilespmem:$0x11400] =	vst v63  }
.LBB2_2:
0x1e: {  	s30 =	sshll.u32 s26, $0x2;
	p0 =	seq.s32 s26, $0x0  }
0x1f: {  	s0 =	simm.s32 @!p0 $0x2;
	s28 =	sor.u32 $0x2, s30  }
0x20: {  	_ =	swait.ge @!p0 [sflag:s0], $0x3200;
	s1 =	smul.u32 $0x340, s28  }
0x21: {  	[sflag:s0] =	ssyncset.done @!p0 $0x0  }
0x22: {  	[sflag:s0] =	ssyncadd.s32 @!p0 $0xFFFFCE00;
	s9 =	sshra.s32 s1, $0x2  }
0x23: {  	[tilespmem:s19], [sflag:$0x1] =	stream.indirect.gather [hbm4b:s5+s11], $0x40, s9, s11, $0xb8;
	[tilespmem:$0x11400] =	vst v63  }
0x24: {  	s0 =	sadd.s32 $0x68, s9  }
0x25: {  	[tilespmem:s20], [sflag:$0x1] =	stream.indirect.gather [hbm4b:s5+s11], $0x40, s0, s11, $0xb8;
	[tilespmem:$0x11400] =	vst v63  }
0x26: {  	_ =	swait.ge [sflag:s21], $0x1900  }
0x27: {  	[sflag:s21] =	ssyncset.done $0x0  }
0x28: {  	[sflag:s21] =	ssyncadd.s32 $0xFFFFE700  }
0x29: {  	_ =	swait.ge [sflag:s21], $0x1900  }
0x2a: {  	[sflag:s21] =	ssyncset.done $0x0  }
0x2b: {  	s29 =	simm.s32 $0x1A80;
	[sflag:s21] =	ssyncadd.s32 $0xFFFFE700  }
0x2c: {  	s1 =	simm.s32 $0xE280;
	v0 =	vld [tilespmem:s29+$0x40]  }
0x2d: {  	v1 =	vld [tilespmem:s1+$0x40]  }
0x2e: {  	v2 =	vld [tilespmem:s29+$0xFFFFFFC0]  }
0x2f: {  	v3 =	vld [tilespmem:s1+$0xFFFFFFC0]  }
0x30: {  	v4 =	vld [tilespmem:s29+$0x0]  }
0x31: {  	v5 =	vld [tilespmem:s1+$0x0]  }
0x32: {  	v6 =	vld [tilespmem:s29+$0xFFFFFF80];
	v0 =	vadd.f32 v1, v0  }
0x33: {  	v1 =	vld [tilespmem:s1+$0xFFFFFF80]  }
0x34: {  	[tilespmem:s29+$0x40] =	vst v0;
	v0 =	vld [tilespmem:s29+$0x50]  }
0x35: {  	v2 =	vadd.f32 v3, v2;
	v3 =	vld [tilespmem:s1+$0x50]  }
0x36: {  	v7 =	vld [tilespmem:s29+$0xFFFFFF90]  }
0x37: {  	[tilespmem:s29+$0xFFFFFFC0] =	vst v2;
	v2 =	vadd.f32 v5, v4;
	v4 =	vld [tilespmem:s29+$0xFFFFFFD0]  }
0x38: {  	v5 =	vld [tilespmem:s1+$0xFFFFFFD0];
	v1 =	vadd.f32 v1, v6  }
0x39: {  	[tilespmem:s29+$0x0] =	vst v2;
	v2 =	vld [tilespmem:s29+$0x10]  }
0x3a: {  	v6 =	vld [tilespmem:s1+$0x10];
	[tilespmem:s29+$0xFFFFFF80] =	vst v1;
	v0 =	vadd.f32 v3, v0  }
0x3b: {  	v1 =	vld [tilespmem:s1+$0xFFFFFF90]  }
0x3c: {  	[tilespmem:s29+$0x50] =	vst v0;
	v0 =	vld [tilespmem:s29+$0x60]  }
0x3d: {  	v3 =	vadd.f32 v5, v4;
	v4 =	vld [tilespmem:s1+$0x60]  }
0x3e: {  	v5 =	vld [tilespmem:s29+$0xFFFFFFA0]  }
0x3f: {  	[tilespmem:s29+$0xFFFFFFD0] =	vst v3;
	v2 =	vadd.f32 v6, v2;
	v3 =	vld [tilespmem:s29+$0xFFFFFFE0]  }
0x40: {  	v6 =	vld [tilespmem:s1+$0xFFFFFFE0];
	v1 =	vadd.f32 v1, v7  }
0x41: {  	[tilespmem:s29+$0x10] =	vst v2;
	v2 =	vld [tilespmem:s29+$0x20]  }
0x42: {  	v7 =	vld [tilespmem:s1+$0x20];
	[tilespmem:s29+$0xFFFFFF90] =	vst v1;
	v0 =	vadd.f32 v4, v0  }
0x43: {  	v4 =	vld [tilespmem:s1+$0xFFFFFFA0]  }
0x44: {  	v8 =	vld [tilespmem:s29+$0x70];
	[tilespmem:s29+$0x60] =	vst v0  }
0x45: {  	v1 =	vadd.f32 v6, v3;
	v6 =	vld [tilespmem:s1+$0x70]  }
0x46: {  	v0 =	vld [tilespmem:s29+$0xFFFFFFB0]  }
0x47: {  	[tilespmem:s29+$0xFFFFFFE0] =	vst v1;
	v2 =	vadd.f32 v7, v2;
	v1 =	vld [tilespmem:s29+$0xFFFFFFF0]  }
0x48: {  	v3 =	vld [tilespmem:s1+$0xFFFFFFF0];
	v4 =	vadd.f32 v4, v5  }
0x49: {  	[tilespmem:s29+$0x20] =	vst v2;
	v2 =	vld [tilespmem:s29+$0x30]  }
0x4a: {  	[tilespmem:s29+$0xFFFFFFA0] =	vst v4;
	v4 =	vld [tilespmem:s1+$0x30];
	v6 =	vadd.f32 v6, v8  }
0x4b: {  	s31 =	simm.s32 $0x0;
	s0 =	simm.s32 $0x1B80;
	v5 =	vld [tilespmem:s1+$0xFFFFFFB0]  }
.LBB2_3:
0x4c: {  	v7 =	vld [tilespmem:s0+$0x40];
	[tilespmem:s29+$0x70] =	vst v6;
	s1 =	sadd.s32 $0x100, s1  }
0x4d: {  	s31 =	sadd.s32 $0x4, s31;
	v6 =	vld [tilespmem:s1+$0x40];
	v1 =	vadd.f32 v3, v1  }
0x4e: {  	p1 =	slt.u32 s31, $0xC4;
	v3 =	vld [tilespmem:s1+$0xFFFFFF80]  }
0x4f: {  	v8 =	vld [tilespmem:s0+$0xFFFFFFC0];
	[tilespmem:s29+$0xFFFFFFF0] =	vst v1;
	v1 =	vadd.f32 v4, v2  }
0x50: {  	v2 =	vld [tilespmem:s1+$0xFFFFFFC0];
	v0 =	vadd.f32 v5, v0  }
0x51: {  	v4 =	vld [tilespmem:s0+$0x0];
	[tilespmem:s29+$0x30] =	vst v1  }
0x52: {  	v1 =	vld [tilespmem:s1+$0x0];
	v5 =	vadd.f32 v6, v7;
	[tilespmem:s29+$0xFFFFFFB0] =	vst v0;
	s29 =	smov.u32 s0  }
0x53: {  	v0 =	vld [tilespmem:s0+$0xFFFFFF80]  }
0x54: {  	[tilespmem:s0+$0x40] =	vst v5;
	v5 =	vld [tilespmem:s0+$0x50]  }
0x55: {  	v2 =	vadd.f32 v2, v8;
	v6 =	vld [tilespmem:s1+$0x50]  }
0x56: {  	v7 =	vld [tilespmem:s0+$0xFFFFFF90]  }
0x57: {  	[tilespmem:s0+$0xFFFFFFC0] =	vst v2;
	v2 =	vld [tilespmem:s0+$0xFFFFFFD0];
	v1 =	vadd.f32 v1, v4  }
0x58: {  	v0 =	vadd.f32 v3, v0;
	v3 =	vld [tilespmem:s1+$0xFFFFFFD0]  }
0x59: {  	[tilespmem:s0+$0x0] =	vst v1;
	v1 =	vld [tilespmem:s0+$0x10]  }
0x5a: {  	[tilespmem:s0+$0xFFFFFF80] =	vst v0;
	v0 =	vld [tilespmem:s1+$0x10];
	v4 =	vadd.f32 v6, v5  }
0x5b: {  	v5 =	vld [tilespmem:s1+$0xFFFFFF90]  }
0x5c: {  	[tilespmem:s0+$0x50] =	vst v4;
	v4 =	vld [tilespmem:s0+$0x60]  }
0x5d: {  	v2 =	vadd.f32 v3, v2;
	v3 =	vld [tilespmem:s1+$0x60]  }
0x5e: {  	v6 =	vld [tilespmem:s0+$0xFFFFFFA0]  }
0x5f: {  	[tilespmem:s0+$0xFFFFFFD0] =	vst v2;
	v2 =	vld [tilespmem:s0+$0xFFFFFFE0];
	v0 =	vadd.f32 v0, v1  }
0x60: {  	v1 =	vadd.f32 v5, v7;
	v5 =	vld [tilespmem:s1+$0xFFFFFFE0]  }
0x61: {  	[tilespmem:s0+$0x10] =	vst v0;
	v7 =	vld [tilespmem:s0+$0x20]  }
0x62: {  	[tilespmem:s0+$0xFFFFFF90] =	vst v1;
	v8 =	vld [tilespmem:s1+$0x20];
	v0 =	vadd.f32 v3, v4  }
0x63: {  	v3 =	vld [tilespmem:s1+$0xFFFFFFA0]  }
0x64: {  	[tilespmem:s0+$0x60] =	vst v0;
	v9 =	vld [tilespmem:s0+$0x70]  }
0x65: {  	v1 =	vadd.f32 v5, v2;
	v5 =	vld [tilespmem:s1+$0x70]  }
0x66: {  	v0 =	vld [tilespmem:s0+$0xFFFFFFB0]  }
.Ltmp0:
0x67: {  	[tilespmem:s0+$0xFFFFFFE0] =	vst v1;
	v1 =	vld [tilespmem:s0+$0xFFFFFFF0];
	v2 =	vadd.f32 v8, v7;
	(pc) =	sbr.rel @p1 .LBB2_3-.Ltmp0, $4  }
0x68: {  	v4 =	vadd.f32 v3, v6;
	v3 =	vld [tilespmem:s1+$0xFFFFFFF0]  }
0x69: {  	[tilespmem:s0+$0x20] =	vst v2;
	v2 =	vld [tilespmem:s0+$0x30]  }
0x6a: {  	[tilespmem:s0+$0xFFFFFFA0] =	vst v4;
	v4 =	vld [tilespmem:s1+$0x30];
	v6 =	vadd.f32 v5, v9  }
0x6b: {  	s0 =	sadd.s32 $0x100, s0;
	v5 =	vld [tilespmem:s1+$0xFFFFFFB0]  }
0x6c: {  	_ =	sdelay $0x1  }
0x6d: {  	v1 =	vadd.f32 v3, v1  }
0x6e: {  	[tilespmem:s29+$0x70] =	vst v6;
	s0 =	sadd.s32 s4, s30;
	v2 =	vadd.f32 v4, v2  }
0x6f: {  	s0 =	smul.u32 $0x640, s0;
	[tilespmem:s29+$0xFFFFFFF0] =	vst v1;
	v0 =	vadd.f32 v5, v0  }
0x70: {  	[tilespmem:s29+$0x30] =	vst v2  }
0x71: {  	s0 =	sadd.s32 s2, s0;
	[tilespmem:s29+$0xFFFFFFB0] =	vst v0  }
0x72: {  	[hbm4b:s0+s3] =	stream.linear.scatter [tilespmem:s12], [sflag:$0x2], $0x3200, $0x38;
	[tilespmem:$0x11400] =	vst v63  }
0x73: {  	s29 =	sor.u32 $0x3, s30;
	s0 =	simm.s32 @!p0 $0x2  }
0x74: {  	s1 =	smul.u32 $0x340, s29;
	_ =	swait.ge @!p0 [sflag:s0], $0x3200  }
0x75: {  	[sflag:s0] =	ssyncset.done @!p0 $0x0  }
0x76: {  	s9 =	sshra.s32 s1, $0x2;
	[sflag:s0] =	ssyncadd.s32 @!p0 $0xFFFFCE00  }
0x77: {  	[tilespmem:s22], [sflag:$0x1] =	stream.indirect.gather [hbm4b:s5+s11], $0x40, s9, s11, $0xb8;
	[tilespmem:$0x11400] =	vst v63  }
0x78: {  	s0 =	sadd.s32 $0x68, s9  }
0x79: {  	[tilespmem:s23], [sflag:$0x1] =	stream.indirect.gather [hbm4b:s5+s11], $0x40, s0, s11, $0xb8;
	[tilespmem:$0x11400] =	vst v63  }
0x7a: {  	_ =	swait.ge [sflag:s21], $0x1900  }
0x7b: {  	[sflag:s21] =	ssyncset.done $0x0  }
0x7c: {  	[sflag:s21] =	ssyncadd.s32 $0xFFFFE700  }
0x7d: {  	_ =	swait.ge [sflag:s21], $0x1900  }
0x7e: {  	[sflag:s21] =	ssyncset.done $0x0  }
0x7f: {  	s31 =	simm.s32 $0x4CF0;
	[sflag:s21] =	ssyncadd.s32 $0xFFFFE700  }
0x80: {  	s1 =	simm.s32 $0xE280;
	v0 =	vld [tilespmem:s31+$0xFFFFFFD0]  }
0x81: {  	v1 =	vld [tilespmem:s1+$0x40]  }
0x82: {  	v2 =	vld [tilespmem:s31+$0xFFFFFF50]  }
0x83: {  	v3 =	vld [tilespmem:s1+$0xFFFFFFC0]  }
0x84: {  	v4 =	vld [tilespmem:s31+$0xFFFFFF90]  }
0x85: {  	v5 =	vld [tilespmem:s1+$0x0]  }
0x86: {  	v6 =	vld [tilespmem:s31+$0xFFFFFF10];
	v0 =	vadd.f32 v1, v0  }
0x87: {  	v1 =	vld [tilespmem:s1+$0xFFFFFF80]  }
0x88: {  	[tilespmem:s31+$0xFFFFFFD0] =	vst v0;
	v0 =	vld [tilespmem:s31+$0xFFFFFFE0]  }
0x89: {  	v2 =	vadd.f32 v3, v2;
	v3 =	vld [tilespmem:s1+$0x50]  }
0x8a: {  	v7 =	vld [tilespmem:s31+$0xFFFFFF20]  }
0x8b: {  	[tilespmem:s31+$0xFFFFFF50] =	vst v2;
	v2 =	vadd.f32 v5, v4;
	v4 =	vld [tilespmem:s31+$0xFFFFFF60]  }
0x8c: {  	v5 =	vld [tilespmem:s1+$0xFFFFFFD0];
	v1 =	vadd.f32 v1, v6  }
0x8d: {  	[tilespmem:s31+$0xFFFFFF90] =	vst v2;
	v2 =	vld [tilespmem:s31+$0xFFFFFFA0]  }
0x8e: {  	v6 =	vld [tilespmem:s1+$0x10];
	[tilespmem:s31+$0xFFFFFF10] =	vst v1;
	v0 =	vadd.f32 v3, v0  }
0x8f: {  	v1 =	vld [tilespmem:s1+$0xFFFFFF90]  }
0x90: {  	[tilespmem:s31+$0xFFFFFFE0] =	vst v0;
	v0 =	vld [tilespmem:s31+$0xFFFFFFF0]  }
0x91: {  	v3 =	vadd.f32 v5, v4;
	v4 =	vld [tilespmem:s1+$0x60]  }
0x92: {  	v5 =	vld [tilespmem:s31+$0xFFFFFF30]  }
0x93: {  	[tilespmem:s31+$0xFFFFFF60] =	vst v3;
	v2 =	vadd.f32 v6, v2;
	v3 =	vld [tilespmem:s31+$0xFFFFFF70]  }
0x94: {  	v6 =	vld [tilespmem:s1+$0xFFFFFFE0];
	v1 =	vadd.f32 v1, v7  }
0x95: {  	[tilespmem:s31+$0xFFFFFFA0] =	vst v2;
	v2 =	vld [tilespmem:s31+$0xFFFFFFB0]  }
0x96: {  	v7 =	vld [tilespmem:s1+$0x20];
	[tilespmem:s31+$0xFFFFFF20] =	vst v1;
	v0 =	vadd.f32 v4, v0  }
0x97: {  	v4 =	vld [tilespmem:s1+$0xFFFFFFA0]  }
0x98: {  	v8 =	vld [tilespmem:s31+$0x0];
	[tilespmem:s31+$0xFFFFFFF0] =	vst v0  }
0x99: {  	v1 =	vadd.f32 v6, v3;
	v6 =	vld [tilespmem:s1+$0x70]  }
0x9a: {  	v0 =	vld [tilespmem:s31+$0xFFFFFF40]  }
0x9b: {  	[tilespmem:s31+$0xFFFFFF70] =	vst v1;
	v2 =	vadd.f32 v7, v2;
	v1 =	vld [tilespmem:s31+$0xFFFFFF80]  }
0x9c: {  	v3 =	vld [tilespmem:s1+$0xFFFFFFF0];
	v4 =	vadd.f32 v4, v5  }
0x9d: {  	[tilespmem:s31+$0xFFFFFFB0] =	vst v2;
	v2 =	vld [tilespmem:s31+$0xFFFFFFC0]  }
0x9e: {  	[tilespmem:s31+$0xFFFFFF30] =	vst v4;
	v4 =	vld [tilespmem:s1+$0x30];
	v6 =	vadd.f32 v6, v8  }
0x9f: {  	s30 =	sor.u32 $0x1, s30;
	s9 =	simm.s32 $0x4DF0;
	s0 =	simm.s32 $0x0;
	v5 =	vld [tilespmem:s1+$0xFFFFFFB0]  }
.LBB2_5:
0xa0: {  	v7 =	vld [tilespmem:s9+$0xFFFFFFD0];
	[tilespmem:s31+$0x0] =	vst v6;
	s1 =	sadd.s32 $0x100, s1  }
0xa1: {  	s0 =	sadd.s32 $0x4, s0;
	v6 =	vld [tilespmem:s1+$0x40];
	v1 =	vadd.f32 v3, v1  }
0xa2: {  	p0 =	slt.u32 s0, $0xC4;
	v3 =	vld [tilespmem:s1+$0xFFFFFF80]  }
0xa3: {  	v8 =	vld [tilespmem:s9+$0xFFFFFF50];
	[tilespmem:s31+$0xFFFFFF80] =	vst v1;
	v1 =	vadd.f32 v4, v2  }
0xa4: {  	v2 =	vld [tilespmem:s1+$0xFFFFFFC0];
	v0 =	vadd.f32 v5, v0  }
0xa5: {  	v4 =	vld [tilespmem:s9+$0xFFFFFF90];
	[tilespmem:s31+$0xFFFFFFC0] =	vst v1  }
0xa6: {  	v1 =	vld [tilespmem:s1+$0x0];
	v5 =	vadd.f32 v6, v7;
	[tilespmem:s31+$0xFFFFFF40] =	vst v0;
	s31 =	smov.u32 s9  }
0xa7: {  	v0 =	vld [tilespmem:s9+$0xFFFFFF10]  }
0xa8: {  	[tilespmem:s9+$0xFFFFFFD0] =	vst v5;
	v5 =	vld [tilespmem:s9+$0xFFFFFFE0]  }
0xa9: {  	v2 =	vadd.f32 v2, v8;
	v6 =	vld [tilespmem:s1+$0x50]  }
0xaa: {  	v7 =	vld [tilespmem:s9+$0xFFFFFF20]  }
0xab: {  	[tilespmem:s9+$0xFFFFFF50] =	vst v2;
	v2 =	vld [tilespmem:s9+$0xFFFFFF60];
	v1 =	vadd.f32 v1, v4  }
0xac: {  	v0 =	vadd.f32 v3, v0;
	v3 =	vld [tilespmem:s1+$0xFFFFFFD0]  }
0xad: {  	[tilespmem:s9+$0xFFFFFF90] =	vst v1;
	v1 =	vld [tilespmem:s9+$0xFFFFFFA0]  }
0xae: {  	[tilespmem:s9+$0xFFFFFF10] =	vst v0;
	v0 =	vld [tilespmem:s1+$0x10];
	v4 =	vadd.f32 v6, v5  }
0xaf: {  	v5 =	vld [tilespmem:s1+$0xFFFFFF90]  }
0xb0: {  	[tilespmem:s9+$0xFFFFFFE0] =	vst v4;
	v4 =	vld [tilespmem:s9+$0xFFFFFFF0]  }
0xb1: {  	v2 =	vadd.f32 v3, v2;
	v3 =	vld [tilespmem:s1+$0x60]  }
0xb2: {  	v6 =	vld [tilespmem:s9+$0xFFFFFF30]  }
0xb3: {  	[tilespmem:s9+$0xFFFFFF60] =	vst v2;
	v2 =	vld [tilespmem:s9+$0xFFFFFF70];
	v0 =	vadd.f32 v0, v1  }
0xb4: {  	v1 =	vadd.f32 v5, v7;
	v5 =	vld [tilespmem:s1+$0xFFFFFFE0]  }
0xb5: {  	[tilespmem:s9+$0xFFFFFFA0] =	vst v0;
	v7 =	vld [tilespmem:s9+$0xFFFFFFB0]  }
0xb6: {  	[tilespmem:s9+$0xFFFFFF20] =	vst v1;
	v8 =	vld [tilespmem:s1+$0x20];
	v0 =	vadd.f32 v3, v4  }
0xb7: {  	v3 =	vld [tilespmem:s1+$0xFFFFFFA0]  }
0xb8: {  	[tilespmem:s9+$0xFFFFFFF0] =	vst v0;
	v9 =	vld [tilespmem:s9+$0x0]  }
0xb9: {  	v1 =	vadd.f32 v5, v2;
	v5 =	vld [tilespmem:s1+$0x70]  }
0xba: {  	v0 =	vld [tilespmem:s9+$0xFFFFFF40]  }
.Ltmp1:
0xbb: {  	[tilespmem:s9+$0xFFFFFF70] =	vst v1;
	v1 =	vld [tilespmem:s9+$0xFFFFFF80];
	v2 =	vadd.f32 v8, v7;
	(pc) =	sbr.rel @p0 .LBB2_5-.Ltmp1, $4  }
0xbc: {  	v4 =	vadd.f32 v3, v6;
	v3 =	vld [tilespmem:s1+$0xFFFFFFF0]  }
0xbd: {  	[tilespmem:s9+$0xFFFFFFB0] =	vst v2;
	v2 =	vld [tilespmem:s9+$0xFFFFFFC0]  }
0xbe: {  	[tilespmem:s9+$0xFFFFFF30] =	vst v4;
	v4 =	vld [tilespmem:s1+$0x30];
	v6 =	vadd.f32 v5, v9  }
0xbf: {  	s9 =	sadd.s32 $0x100, s9;
	v5 =	vld [tilespmem:s1+$0xFFFFFFB0]  }
0xc0: {  	_ =	sdelay $0x1  }
0xc1: {  	v1 =	vadd.f32 v3, v1  }
0xc2: {  	[tilespmem:s31+$0x0] =	vst v6;
	s0 =	sadd.s32 s4, s30;
	v2 =	vadd.f32 v4, v2  }
0xc3: {  	s0 =	smul.u32 $0x640, s0;
	[tilespmem:s31+$0xFFFFFF80] =	vst v1;
	v0 =	vadd.f32 v5, v0  }
0xc4: {  	[tilespmem:s31+$0xFFFFFFC0] =	vst v2  }
0xc5: {  	p0 =	seq.s32 s26, $0x7;
	s0 =	sadd.s32 s2, s0;
	[tilespmem:s31+$0xFFFFFF40] =	vst v0  }
0xc6: {  	[hbm4b:s0+s3] =	stream.linear.scatter [tilespmem:s16], [sflag:$0x2], $0x3200, $0x38;
	[tilespmem:$0x11400] =	vst v63  }
0xc7: {  	s0 =	smul.u32 @!p0 $0xD00, s26  }
0xc8: {  	_ =	swait.ge [sflag:s24], $0x3200  }
0xc9: {  	s1 =	simm.s32 @!p0 $0x64;
	[sflag:s24] =	ssyncset.done $0x0;
	s30 =	sshra.s32 @!p0 s0, $0x2  }
0xca: {  	s9 =	simm.s32 @!p0 $0x1A00;
	[sflag:s24] =	ssyncadd.s32 $0xFFFFCE00;
	s0 =	sadd.s32 @!p0 $0x340, s30  }
0xcb: {  	[tilespmem:s9], [sflag:$0x1] =	stream.indirect.gather @!p0 [hbm4b:s5+s1], $0x40, s0, s1, $0xb8;
	[tilespmem:$0x11400] =	vst v63  }
0xcc: {  	s0 =	sadd.s32 @!p0 $0x3A8, s30;
	s9 =	simm.s32 @!p0 $0x3300  }
0xcd: {  	[tilespmem:s9], [sflag:$0x1] =	stream.indirect.gather @!p0 [hbm4b:s5+s1], $0x40, s0, s1, $0xb8;
	[tilespmem:$0x11400] =	vst v63  }
0xce: {  	_ =	swait.ge [sflag:s21], $0x1900  }
0xcf: {  	[sflag:s21] =	ssyncset.done $0x0  }
0xd0: {  	[sflag:s21] =	ssyncadd.s32 $0xFFFFE700  }
0xd1: {  	_ =	swait.ge [sflag:s21], $0x1900  }
0xd2: {  	[sflag:s21] =	ssyncset.done $0x0  }
0xd3: {  	s31 =	simm.s32 $0x0;
	[sflag:s21] =	ssyncadd.s32 $0xFFFFE700  }
0xd4: {  	v0 =	vld [tilespmem:s31+$0x7EF0]  }
0xd5: {  	v1 =	vld [tilespmem:s31+$0xE2F0]  }
0xd6: {  	v2 =	vld [tilespmem:s31+$0x7E00]  }
0xd7: {  	v3 =	vld [tilespmem:s31+$0xE200]  }
0xd8: {  	v4 =	vld [tilespmem:s31+$0x7E10]  }
0xd9: {  	v5 =	vld [tilespmem:s31+$0xE210]  }
0xda: {  	v6 =	vld [tilespmem:s31+$0x7E20]  }
0xdb: {  	v7 =	vld [tilespmem:s31+$0xE220]  }
0xdc: {  	v8 =	vld [tilespmem:s31+$0x7E30]  }
0xdd: {  	v9 =	vld [tilespmem:s31+$0xE230]  }
0xde: {  	v10 =	vld [tilespmem:s31+$0x7E40]  }
0xdf: {  	v11 =	vld [tilespmem:s31+$0xE240]  }
0xe0: {  	v12 =	vld [tilespmem:s31+$0x7E50]  }
0xe1: {  	v13 =	vld [tilespmem:s31+$0xE250]  }
0xe2: {  	v14 =	vld [tilespmem:s31+$0x7E60]  }
0xe3: {  	v15 =	vld [tilespmem:s31+$0xE260]  }
0xe4: {  	v16 =	vld [tilespmem:s31+$0x7E70]  }
0xe5: {  	v61 =	vld [tilespmem:s31+$0xE2A0];
	v0 =	vadd.f32 v1, v0  }
0xe6: {  	v1 =	vld [tilespmem:s31+$0xE270];
	v2 =	vadd.f32 v3, v2  }
0xe7: {  	v3 =	vld [tilespmem:s31+$0x7E80];
	[tilespmem:s31+$0x7EF0] =	vst v0;
	v0 =	vadd.f32 v5, v4  }
0xe8: {  	v4 =	vld [tilespmem:s31+$0xE280];
	[tilespmem:s31+$0x7E00] =	vst v2;
	v2 =	vadd.f32 v7, v6  }
0xe9: {  	v5 =	vld [tilespmem:s31+$0x7E90];
	[tilespmem:s31+$0x7E10] =	vst v0;
	v0 =	vadd.f32 v9, v8  }
0xea: {  	v6 =	vld [tilespmem:s31+$0xE290];
	[tilespmem:s31+$0x7E20] =	vst v2;
	v2 =	vadd.f32 v11, v10  }
0xeb: {  	v7 =	vld [tilespmem:s31+$0x7EA0];
	v1 =	vadd.f32 v1, v16;
	[tilespmem:s31+$0x7E30] =	vst v0  }
0xec: {  	v62 =	vld [tilespmem:s31+$0x7EB0];
	v0 =	vadd.f32 v13, v12;
	[tilespmem:s31+$0x7E40] =	vst v2  }
0xed: {  	v63 =	vld [tilespmem:s31+$0xE2B0];
	v2 =	vadd.f32 v15, v14;
	[tilespmem:s31+$0x7E70] =	vst v1  }
0xee: {  	v3 =	vadd.f32 v4, v3;
	[tilespmem:s31+$0x7E50] =	vst v0;
	v0 =	vld [tilespmem:s31+$0x7EC0]  }
0xef: {  	v4 =	vadd.f32 v6, v5;
	[tilespmem:s31+$0x7E60] =	vst v2;
	v2 =	vld [tilespmem:s31+$0xE2C0]  }
0xf0: {  	v1 =	vld [tilespmem:s31+$0x7ED0];
	[tilespmem:s31+$0x7E80] =	vst v3;
	v3 =	vadd.f32 v61, v7  }
0xf1: {  	[tilespmem:s31+$0x7E90] =	vst v4;
	v4 =	vld [tilespmem:s31+$0xE2D0]  }
0xf2: {  	s1 =	simm.s32 $0x0;
	s0 =	simm.s32 $0x400;
	v5 =	vadd.f32 v63, v62;
	[tilespmem:s31+$0x7EA0] =	vst v3;
	v3 =	vld [tilespmem:s31+$0x7EE0]  }
.LBB2_7:
0xf3: {  	s9 =	sshra.s32 s0, $0x2;
	v6 =	vld [tilespmem:s31+$0xE2E0]  }
0xf4: {  	s1 =	sadd.s32 $0x4, s1;
	v7 =	vld [tilespmem:s9+$0x7EF0];
	[tilespmem:s31+$0x7EB0] =	vst v5;
	v0 =	vadd.f32 v2, v0  }
0xf5: {  	p1 =	slt.u32 s1, $0xC4;
	v2 =	vld [tilespmem:s9+$0xE2F0]  }
0xf6: {  	v5 =	vld [tilespmem:s9+$0x7E00];
	[tilespmem:s31+$0x7EC0] =	vst v0;
	v0 =	vadd.f32 v4, v1  }
0xf7: {  	v1 =	vld [tilespmem:s9+$0xE200]  }
0xf8: {  	v4 =	vld [tilespmem:s9+$0x7E10];
	[tilespmem:s31+$0x7ED0] =	vst v0;
	v0 =	vadd.f32 v6, v3  }
0xf9: {  	v3 =	vld [tilespmem:s9+$0xE210]  }
0xfa: {  	v6 =	vld [tilespmem:s9+$0x7E20];
	v2 =	vadd.f32 v2, v7;
	[tilespmem:s31+$0x7EE0] =	vst v0;
	s31 =	smov.u32 s9  }
0xfb: {  	v0 =	vld [tilespmem:s31+$0xE220]  }
0xfc: {  	v1 =	vadd.f32 v1, v5;
	v5 =	vld [tilespmem:s31+$0x7E30];
	[tilespmem:s31+$0x7EF0] =	vst v2  }
0xfd: {  	v2 =	vld [tilespmem:s31+$0xE230]  }
0xfe: {  	[tilespmem:s31+$0x7E00] =	vst v1;
	v1 =	vadd.f32 v3, v4;
	v3 =	vld [tilespmem:s31+$0x7E40]  }
0xff: {  	v4 =	vld [tilespmem:s31+$0xE240]  }
0x100: {  	[tilespmem:s31+$0x7E10] =	vst v1;
	v0 =	vadd.f32 v0, v6;
	v1 =	vld [tilespmem:s31+$0x7E50]  }
0x101: {  	v6 =	vld [tilespmem:s31+$0xE250]  }
0x102: {  	[tilespmem:s31+$0x7E20] =	vst v0;
	v0 =	vadd.f32 v2, v5;
	v2 =	vld [tilespmem:s31+$0x7E60]  }
0x103: {  	v5 =	vld [tilespmem:s31+$0xE260]  }
0x104: {  	[tilespmem:s31+$0x7E30] =	vst v0;
	v0 =	vadd.f32 v4, v3;
	v3 =	vld [tilespmem:s31+$0x7E70]  }
0x105: {  	v4 =	vld [tilespmem:s31+$0xE270]  }
0x106: {  	[tilespmem:s31+$0x7E40] =	vst v0;
	v0 =	vadd.f32 v6, v1;
	v1 =	vld [tilespmem:s31+$0x7E80]  }
0x107: {  	v6 =	vld [tilespmem:s31+$0xE280]  }
0x108: {  	[tilespmem:s31+$0x7E50] =	vst v0;
	v0 =	vadd.f32 v5, v2;
	v2 =	vld [tilespmem:s31+$0x7E90]  }
0x109: {  	v5 =	vld [tilespmem:s31+$0xE290]  }
0x10a: {  	[tilespmem:s31+$0x7E60] =	vst v0;
	v0 =	vadd.f32 v4, v3;
	v3 =	vld [tilespmem:s31+$0x7EA0]  }
0x10b: {  	v4 =	vld [tilespmem:s31+$0xE2A0]  }
0x10c: {  	[tilespmem:s31+$0x7E70] =	vst v0;
	v0 =	vadd.f32 v6, v1;
	v6 =	vld [tilespmem:s31+$0x7EB0]  }
0x10d: {  	v7 =	vld [tilespmem:s31+$0xE2B0]  }
.Ltmp2:
0x10e: {  	[tilespmem:s31+$0x7E80] =	vst v0;
	v1 =	vadd.f32 v5, v2;
	v0 =	vld [tilespmem:s31+$0x7EC0];
	(pc) =	sbr.rel @p1 .LBB2_7-.Ltmp2, $4  }
0x10f: {  	v2 =	vld [tilespmem:s31+$0xE2C0]  }
0x110: {  	[tilespmem:s31+$0x7E90] =	vst v1;
	v3 =	vadd.f32 v4, v3;
	v1 =	vld [tilespmem:s31+$0x7ED0]  }
0x111: {  	v4 =	vld [tilespmem:s31+$0xE2D0]  }
0x112: {  	s0 =	sadd.s32 $0x400, s0;
	[tilespmem:s31+$0x7EA0] =	vst v3;
	v5 =	vadd.f32 v7, v6;
	v3 =	vld [tilespmem:s31+$0x7EE0]  }
0x113: {  	v6 =	vld [tilespmem:s31+$0xE2E0];
	_ =	sdelay $0x2  }
0x114: {  	v0 =	vadd.f32 v2, v0  }
0x115: {  	s0 =	sadd.s32 s4, s28;
	[tilespmem:s31+$0x7EB0] =	vst v5;
	v1 =	vadd.f32 v4, v1  }
0x116: {  	s0 =	smul.u32 $0x640, s0;
	[tilespmem:s31+$0x7EC0] =	vst v0;
	v0 =	vadd.f32 v6, v3  }
0x117: {  	[tilespmem:s31+$0x7ED0] =	vst v1  }
0x118: {  	s0 =	sadd.s32 s2, s0;
	[tilespmem:s31+$0x7EE0] =	vst v0  }
0x119: {  	[hbm4b:s0+s3] =	stream.linear.scatter [tilespmem:s19], [sflag:$0x2], $0x3200, $0x38;
	[tilespmem:$0x11400] =	vst v63  }
0x11a: {  	_ =	swait.ge [sflag:s24], $0x3200  }
0x11b: {  	s1 =	simm.s32 @!p0 $0x64;
	[sflag:s24] =	ssyncset.done $0x0  }
0x11c: {  	s9 =	simm.s32 @!p0 $0x4C00;
	s0 =	sadd.s32 @!p0 $0x410, s30;
	[sflag:s24] =	ssyncadd.s32 $0xFFFFCE00  }
0x11d: {  	[tilespmem:s9], [sflag:$0x1] =	stream.indirect.gather @!p0 [hbm4b:s5+s1], $0x40, s0, s1, $0xb8;
	[tilespmem:$0x11400] =	vst v63  }
0x11e: {  	s0 =	sadd.s32 @!p0 $0x478, s30;
	s9 =	simm.s32 @!p0 $0x6500  }
0x11f: {  	[tilespmem:s9], [sflag:$0x1] =	stream.indirect.gather @!p0 [hbm4b:s5+s1], $0x40, s0, s1, $0xb8;
	[tilespmem:$0x11400] =	vst v63  }
0x120: {  	_ =	swait.ge [sflag:s21], $0x1900  }
0x121: {  	[sflag:s21] =	ssyncset.done $0x0  }
0x122: {  	[sflag:s21] =	ssyncadd.s32 $0xFFFFE700  }
0x123: {  	_ =	swait.ge [sflag:s21], $0x1900  }
0x124: {  	[sflag:s21] =	ssyncset.done $0x0  }
0x125: {  	s28 =	simm.s32 $0x0;
	[sflag:s21] =	ssyncadd.s32 $0xFFFFE700  }
0x126: {  	v0 =	vld [tilespmem:s28+$0xB0F0]  }
0x127: {  	v1 =	vld [tilespmem:s28+$0xE2F0]  }
0x128: {  	v2 =	vld [tilespmem:s28+$0xB000]  }
0x129: {  	v3 =	vld [tilespmem:s28+$0xE200]  }
0x12a: {  	v4 =	vld [tilespmem:s28+$0xB010]  }
0x12b: {  	v5 =	vld [tilespmem:s28+$0xE210]  }
0x12c: {  	v6 =	vld [tilespmem:s28+$0xB020]  }
0x12d: {  	v7 =	vld [tilespmem:s28+$0xE220]  }
0x12e: {  	v8 =	vld [tilespmem:s28+$0xB030]  }
0x12f: {  	v9 =	vld [tilespmem:s28+$0xE230]  }
0x130: {  	v10 =	vld [tilespmem:s28+$0xB040]  }
0x131: {  	v11 =	vld [tilespmem:s28+$0xE240]  }
0x132: {  	v12 =	vld [tilespmem:s28+$0xB050]  }
0x133: {  	v13 =	vld [tilespmem:s28+$0xE250]  }
0x134: {  	v14 =	vld [tilespmem:s28+$0xB060]  }
0x135: {  	v15 =	vld [tilespmem:s28+$0xE260]  }
0x136: {  	v16 =	vld [tilespmem:s28+$0xB070]  }
0x137: {  	v61 =	vld [tilespmem:s28+$0xE2A0];
	v0 =	vadd.f32 v1, v0  }
0x138: {  	v1 =	vld [tilespmem:s28+$0xE270];
	v2 =	vadd.f32 v3, v2  }
0x139: {  	v3 =	vld [tilespmem:s28+$0xB080];
	[tilespmem:s28+$0xB0F0] =	vst v0;
	v0 =	vadd.f32 v5, v4  }
0x13a: {  	v4 =	vld [tilespmem:s28+$0xE280];
	[tilespmem:s28+$0xB000] =	vst v2;
	v2 =	vadd.f32 v7, v6  }
0x13b: {  	v5 =	vld [tilespmem:s28+$0xB090];
	[tilespmem:s28+$0xB010] =	vst v0;
	v0 =	vadd.f32 v9, v8  }
0x13c: {  	v6 =	vld [tilespmem:s28+$0xE290];
	[tilespmem:s28+$0xB020] =	vst v2;
	v2 =	vadd.f32 v11, v10  }
0x13d: {  	v7 =	vld [tilespmem:s28+$0xB0A0];
	v1 =	vadd.f32 v1, v16;
	[tilespmem:s28+$0xB030] =	vst v0  }
0x13e: {  	v62 =	vld [tilespmem:s28+$0xB0B0];
	v0 =	vadd.f32 v13, v12;
	[tilespmem:s28+$0xB040] =	vst v2  }
0x13f: {  	v63 =	vld [tilespmem:s28+$0xE2B0];
	v2 =	vadd.f32 v15, v14;
	[tilespmem:s28+$0xB070] =	vst v1  }
0x140: {  	v3 =	vadd.f32 v4, v3;
	[tilespmem:s28+$0xB050] =	vst v0;
	v0 =	vld [tilespmem:s28+$0xB0C0]  }
0x141: {  	v4 =	vadd.f32 v6, v5;
	[tilespmem:s28+$0xB060] =	vst v2;
	v2 =	vld [tilespmem:s28+$0xE2C0]  }
0x142: {  	v1 =	vld [tilespmem:s28+$0xB0D0];
	[tilespmem:s28+$0xB080] =	vst v3;
	v3 =	vadd.f32 v61, v7  }
0x143: {  	[tilespmem:s28+$0xB090] =	vst v4;
	v4 =	vld [tilespmem:s28+$0xE2D0]  }
0x144: {  	s1 =	simm.s32 $0x0;
	s0 =	simm.s32 $0x400;
	v5 =	vadd.f32 v63, v62;
	[tilespmem:s28+$0xB0A0] =	vst v3;
	v3 =	vld [tilespmem:s28+$0xB0E0]  }
.LBB2_9:
0x145: {  	s9 =	sshra.s32 s0, $0x2;
	v6 =	vld [tilespmem:s28+$0xE2E0]  }
0x146: {  	s1 =	sadd.s32 $0x4, s1;
	v7 =	vld [tilespmem:s9+$0xB0F0];
	[tilespmem:s28+$0xB0B0] =	vst v5;
	v0 =	vadd.f32 v2, v0  }
0x147: {  	p0 =	slt.u32 s1, $0xC4;
	v2 =	vld [tilespmem:s9+$0xE2F0]  }
0x148: {  	v5 =	vld [tilespmem:s9+$0xB000];
	[tilespmem:s28+$0xB0C0] =	vst v0;
	v0 =	vadd.f32 v4, v1  }
0x149: {  	v1 =	vld [tilespmem:s9+$0xE200]  }
0x14a: {  	v4 =	vld [tilespmem:s9+$0xB010];
	[tilespmem:s28+$0xB0D0] =	vst v0;
	v0 =	vadd.f32 v6, v3  }
0x14b: {  	v3 =	vld [tilespmem:s9+$0xE210]  }
0x14c: {  	v6 =	vld [tilespmem:s9+$0xB020];
	v2 =	vadd.f32 v2, v7;
	[tilespmem:s28+$0xB0E0] =	vst v0;
	s28 =	smov.u32 s9  }
0x14d: {  	v0 =	vld [tilespmem:s28+$0xE220]  }
0x14e: {  	v1 =	vadd.f32 v1, v5;
	v5 =	vld [tilespmem:s28+$0xB030];
	[tilespmem:s28+$0xB0F0] =	vst v2  }
0x14f: {  	v2 =	vld [tilespmem:s28+$0xE230]  }
0x150: {  	[tilespmem:s28+$0xB000] =	vst v1;
	v1 =	vadd.f32 v3, v4;
	v3 =	vld [tilespmem:s28+$0xB040]  }
0x151: {  	v4 =	vld [tilespmem:s28+$0xE240]  }
0x152: {  	[tilespmem:s28+$0xB010] =	vst v1;
	v0 =	vadd.f32 v0, v6;
	v1 =	vld [tilespmem:s28+$0xB050]  }
0x153: {  	v6 =	vld [tilespmem:s28+$0xE250]  }
0x154: {  	[tilespmem:s28+$0xB020] =	vst v0;
	v0 =	vadd.f32 v2, v5;
	v2 =	vld [tilespmem:s28+$0xB060]  }
0x155: {  	v5 =	vld [tilespmem:s28+$0xE260]  }
0x156: {  	[tilespmem:s28+$0xB030] =	vst v0;
	v0 =	vadd.f32 v4, v3;
	v3 =	vld [tilespmem:s28+$0xB070]  }
0x157: {  	v4 =	vld [tilespmem:s28+$0xE270]  }
0x158: {  	[tilespmem:s28+$0xB040] =	vst v0;
	v0 =	vadd.f32 v6, v1;
	v1 =	vld [tilespmem:s28+$0xB080]  }
0x159: {  	v6 =	vld [tilespmem:s28+$0xE280]  }
0x15a: {  	[tilespmem:s28+$0xB050] =	vst v0;
	v0 =	vadd.f32 v5, v2;
	v2 =	vld [tilespmem:s28+$0xB090]  }
0x15b: {  	v5 =	vld [tilespmem:s28+$0xE290]  }
0x15c: {  	[tilespmem:s28+$0xB060] =	vst v0;
	v0 =	vadd.f32 v4, v3;
	v3 =	vld [tilespmem:s28+$0xB0A0]  }
0x15d: {  	v4 =	vld [tilespmem:s28+$0xE2A0]  }
0x15e: {  	[tilespmem:s28+$0xB070] =	vst v0;
	v0 =	vadd.f32 v6, v1;
	v6 =	vld [tilespmem:s28+$0xB0B0]  }
0x15f: {  	v7 =	vld [tilespmem:s28+$0xE2B0]  }
.Ltmp3:
0x160: {  	[tilespmem:s28+$0xB080] =	vst v0;
	v1 =	vadd.f32 v5, v2;
	v0 =	vld [tilespmem:s28+$0xB0C0];
	(pc) =	sbr.rel @p0 .LBB2_9-.Ltmp3, $4  }
0x161: {  	v2 =	vld [tilespmem:s28+$0xE2C0]  }
0x162: {  	[tilespmem:s28+$0xB090] =	vst v1;
	v3 =	vadd.f32 v4, v3;
	v1 =	vld [tilespmem:s28+$0xB0D0]  }
0x163: {  	v4 =	vld [tilespmem:s28+$0xE2D0]  }
0x164: {  	s0 =	sadd.s32 $0x400, s0;
	[tilespmem:s28+$0xB0A0] =	vst v3;
	v5 =	vadd.f32 v7, v6;
	v3 =	vld [tilespmem:s28+$0xB0E0]  }
0x165: {  	v6 =	vld [tilespmem:s28+$0xE2E0];
	_ =	sdelay $0x1  }
0x166: {  	s26 =	sadd.s32 $0x1, s26  }
0x167: {  	v0 =	vadd.f32 v2, v0;
	p0 =	sne.s32 s26, $0x8  }
.Ltmp4:
0x168: {  	s0 =	sadd.s32 s4, s29;
	[tilespmem:s28+$0xB0B0] =	vst v5;
	v1 =	vadd.f32 v4, v1;
	(pc) =	sbr.rel @p0 .LBB2_2-.Ltmp4, $4  }
0x169: {  	s0 =	smul.u32 $0x640, s0;
	[tilespmem:s28+$0xB0C0] =	vst v0;
	v63 =	vadd.f32 v6, v3  }
0x16a: {  	[tilespmem:s28+$0xB0D0] =	vst v1  }
0x16b: {  	s0 =	sadd.s32 s2, s0;
	[tilespmem:s28+$0xB0E0] =	vst v63  }
0x16c: {  	[hbm4b:s0+s3] =	stream.linear.scatter [tilespmem:s22], [sflag:$0x2], $0x3200, $0x38;
	[tilespmem:$0x11400] =	vst v63  }
0x16d: {  	s25 =	sadd.s32 $0x1, s25  }
0x16e: {  	_ =	swait.ge [sflag:s24], $0x3200;
	p0 =	sne.s32 s25, s8  }
.Ltmp5:
0x16f: {  	[sflag:s24] =	ssyncset.done $0x0;
	(pc) =	sbr.rel @p0 .LBB2_1-.Ltmp5, $4  }
0x170: {  	[sflag:s24] =	ssyncadd.s32 $0xFFFFCE00  }
0x171: {  	_ =	swait.ge [sflag:s24], $0x3200  }
0x172: {  	[sflag:s24] =	ssyncset.done $0x0  }
0x173: {  	[sflag:s24] =	ssyncadd.s32 $0xFFFFCE00  }
0x174: {  	_ =	sfence.sel $0x180000  }
0x175: {  	[bflag:$0x0] =	sbarrier.arrive $0xFFFF  }
0x176: {  	_ =	strace $0x90000047  }
0x177: {  	s0 =	stileid.u32;
	[bflag:$0x2] =	sbarrier.arrive $0xFFFF  }
0x178: {  	p0 =	sne.s32 s0, $0x0;
	s0 =	rddreg [dreg:$0x2]  }
0x179: {  	s0 =	sadd.s32 @!p0 $0x100000, s0  }
0x17a: {  	[sflag:s0] =	ssyncadd.tile.s32 @!p0 $0x1;
	_ =	shalt  }
.Lfunc_end2:
_tile_overlayer_lowered:
.L_overlay_start_2:
0x17b: {  	(tag) =	ssettag $0x2  }
0x17c: {  	s0 =	rddreg [dreg:$0x0];
	s2 =	stileid.u32  }
0x17d: {  	s1 =	rddreg [dreg:$0x1];
	p0 =	sne.s32 s2, $0x0  }
0x17e: {  	s3 =	rddreg [dreg:$0x2];
	[bflag:$0x3] =	sbarrier.arrive $0xFFFF;
	s2 =	simm.s32 @!p0 $0x1C03  }
0x17f: {  	[timem:s3], [sflag:s2] =	dma.local @!p0 [hbm:s0], s1  }
0x180: {  	s0 =	simm.s32 @!p0 $0x3  }
0x181: {  	_ =	swait.ge @!p0 [sflag:s0], s1  }
0x182: {  	s1 =	ssub.s32 @!p0 $0x0, s1;
	[sflag:s0] =	ssyncset.done @!p0 $0x0  }
0x183: {  	[sflag:s0] =	ssyncadd.s32 @!p0 s1  }
0x184: {  	[bflag:$0x3] =	sbarrier.arrive $0xFFFF  }
0x185: {  	_ =	shalt  }

// kernel: sparse-core-data-format-call.cloned.1.call-start
scs
called_computation_lowered:
.L_overlay_start_0:
0x0: {  	s2 =	sld [smem:$0x3FD9]  }
0x1: {  	s3 =	sld [smem:$0x3FFE];
	_ =	sdelay $0x1  }
0x2: {  	s1 =	srdreg.scid  }
0x3: {  	s0 =	sand.u32 $0x1, s1  }
0x4: {  	s18 =	sshll.u32 s0, $0xA;
	s2 =	sadd.s32 s3, s2  }
0x5: {  	s2 =	sadd.s32 s2, s18  }
0x6: {  	[smem:$0x3FC5] =	sst s2  }
0x7: {  	_ = 	snop  }
0x8: {  	s2 =	sld [smem:$0x3FD0];
	(tm) =	ssettm $0x1  }
0x9: {  	s19 =	sld [smem:$0x3FFB];
	_ =	sdelay $0x3  }
0xa: {  	_ =	strace s19  }
0xb: {  	s3 =	sld [smem:$0x3FFC];
	_ =	sdelay $0x3  }
0xc: {  	_ =	strace s3  }
0xd: {  	s3 =	sld [smem:$0x3FFD];
	_ =	sdelay $0x3  }
0xe: {  	_ =	strace s3  }
0xf: {  	_ =	strace $0x8FFFFFFF  }
0x10: {  	s20 =	sld [smem:$0x3FDB];
	_ =	sdelay $0x1  }
0x11: {  	s4 =	simm.s32 $_scs_section_size  }
0x12: {  	s5 =	simm.s32 $_size__tile_overlayer_lowered;
	s6 =	simm.s32 $_tile_overlayer_lowered  }
0x13: {  	s23 =	simm.s32 $0x1BFF;
	s22 =	sshll.u32 s6, $0x1;
	s3 =	sadd.s32 s4, s20  }
0x14: {  	s7 =	simm.s32 $0x0;
	s21 =	sshll.u32 s5, $0x1;
	s5 =	sadd.s32 s22, s3  }
0x15: {  	[timem:s7], [sflag:s23] =	dma.local [hbm:s5], s21  }
0x16: {  	_ =	swait.ge [sflag:s23], s21  }
0x17: {  	s4 =	ssub.s32 $0x0, s21;
	[sflag:s23] =	ssyncset.done $0x0  }
0x18: {  	[sflag:s23] =	ssyncadd.s32 s4;
	_ =	sdelay $0x1  }
0x19: {  	s24 =	simm.s32 $0x1B8B  }
0x1a: {  	_ =	swait.ge [sflag:s24], $0x1  }
0x1b: {  	[sflag:s24] =	ssyncset.done $0x0  }
0x1c: {  	s26 =	simm.s32 $0x1B8E;
	s25 =	sld [smem:$0x3FFE];
	[sflag:s24] =	ssyncadd.s32 $0xFFFFFFFF  }
0x1d: {  	s27 =	simm.s32 $execute0_lowered;
	[smem:$0x3FD2] =	sst s26  }
0x1e: {  	s5 =	sshll.u32 s27, $0x1;
	_ =	strace $0x80000049;
	[dreg:$0x1] =	wrdreg $0xFFFFFFFF  }
0x1f: {  	s28 =	simm.s32 $_size_execute0_lowered;
	s3 =	sadd.s32 s3, s5;
	[dreg:$0x0] =	wrdreg $0x0  }
0x20: {  	s5 =	sshll.u32 s28, $0x1;
	[dreg:$0x2] =	wrdreg s3  }
0x21: {  	[dreg:$0x3] =	wrdreg s5  }
0x22: {  	[dreg:$0x4] =	wrdreg $0xC0  }
0x23: {  	_ =	task [dreg:s7], $0x5FFFF  }
0x24: {  	[dreg:$0x1] =	wrdreg $0xFFFFFFFF  }
0x25: {  	[dreg:$0x0] =	wrdreg $0x60  }
0x26: {  	[dreg:$0x2] =	wrdreg s25  }
0x27: {  	[dreg:$0x3] =	wrdreg s2  }
0x28: {  	[dreg:$0x4] =	wrdreg $0x9  }
0x29: {  	_ =	task.clear_ibuf [dreg:s7], $0x5FFFF;
	_ =	strace $0x90000049  }
0x2a: {  	s29 =	simm.s32 $0x9;
	_ =	strace $0x8000004B  }
0x2b: {  	_ =	swait.ge [sflag:s29], $0x1  }
0x2c: {  	[sflag:s29] =	ssyncadd.s32 $0xFFFFFFFF  }
0x2d: {  	_ =	strace $0x9000004B  }
0x2e: {  	_ =	sfence  }
0x2f: {  	s30 =	sld [smem:$0x0];
	_ =	sdelay $0x2  }
0x30: {  	s31 =	sshll.u32 s1, $0xD;
	s1 =	sshrl.u32 s1, $0x2  }
0x31: {  	s3 =	sand.u32 $0x4000, s31;
	s1 =	sadd.s32 s1, s30  }
0x32: {  	s0 =	sor.u32 s3, s0;
	s1 =	sshll.u32 s1, $0x11  }
0x33: {  	s0 =	sor.u32 s1, s0  }
0x34: {  	s0 =	sadd.s32 $0x8F2B, s0  }
0x35: {  	[sflag:s0] =	ssyncadd.remote.s32 $0x1  }
0x36: {  	_ =	sfence.sel $0xFFFF  }
0x37: {  	[dreg:$0x0] =	wrdreg $0xFFFFFFFF;
	(pc) =	sbr.abs _section_cstart, $3  }
0x38: {  	[dreg:$0x1] =	wrdreg $0xFFFFFFFF  }
0x39: {  	_ =	task.clear_ibuf [dreg:s7], $0x2FFFF;
	_ =	strace $0x9FFFFFFF  }
0x3a: {  	(tm) =	ssettm $0x7FFFFFFF  }
0x3b: {  	_ =	shalt  }
tec
execute0_lowered:
.L_overlay_start_1:
0x0: {  	(tag) =	ssettag $0x1  }
0x1: {  	s0 =	stileid.u32;
	s6 =	rddreg [dreg:$0x0]  }
0x2: {  	s2 =	rddreg [dreg:$0x1];
	s5 =	srdreg.scid  }
0x3: {  	s31 =	simm.s32 $0x2;
	s13 =	simm.s32 $0x0;
	s1 =	sshll.u32 s0, $0x7  }
0x4: {  	s14 =	simm.s32 $0x0;
	s12 =	simm.s32 $0x0;
	s3 =	sand.u32 $0x380, s1  }
0x5: {  	s5 =	sshll.u32 s5, $0x4;
	s6 =	sadd.s32 $0xC00, s6;
	s4 =	ssub.s32 $0x400, s3  }
0x6: {  	s1 =	rddreg [dreg:$0x2];
	_ =	strace $0x8000004A;
	s7 =	sand.u32 $0x380, s4  }
0x7: {  	s5 =	sand.u32 $0x10, s5;
	p0 =	sne.s32 s7, $0x0;
	s7 =	simm.s32 $0x1  }
.Ltmp0:
0x8: {  	s8 =	sshrl.u32 s4, $0xA;
	s7 =	simm.s32 @!p0 $0x0;
	(pc) =	sbr.rel .LBB1_1-.Ltmp0, $4  }
0x9: {  	s9 =	sor.u32 s0, s5;
	s4 =	simm.s32 $0x1;
	s30 =	sadd.s32 s7, s8  }
0xa: {  	s11 =	smov.u32 s3;
	[sflag:s4] =	ssyncpa.u1 $0x0;
	s5 =	smul.u32 $0x32, s30  }
0xb: {  	[sflag:s31] =	ssyncpa.u1 $0x0;
	p0 =	por $0x0, $0x0;
	s7 =	sshrl.u32 s9, $0x3  }
0xc: {  	s9 =	simm.s32 $0x2000;
	s10 =	smov.u32 s7;
	s8 =	sor.u32 $0x1, s5  }
.LBB1_4:
0xd: {  	s17 =	sand.u32 $0x1F80, s14;
	s13 =	sshll.u32 s13, $0xD  }
0xe: {  	[tilespmem:s16+$0x810 ss:$0x81] =	vst.msk $0xffff, v2;
	s18 =	sshrl.u32 s14, $0x3;
	s31 =	sand.u32 $0x7, s14;
	s17 =	sadd.s32 s2, s17  }
0xf: {  	[tilespmem:s16+$0x1020 ss:$0x81] =	vst.msk $0xffff, v0;
	s18 =	sand.u32 $0xF, s18;
	s14 =	sshll.u32 s31, $0x12;
	s13 =	sadd.s32 s13, s17  }
0x10: {  	[tilespmem:s16+$0x0 ss:$0x81] =	vst.msk $0xffff, v1;
	s14 =	sor.u32 $0x400, s14;
	s13 =	sadd.s32 s18, s13  }
0x11: {  	[hbm4b:s13+s14] =	stream.strided.scatter [tilespmem:s15], [sflag:$0x2], $0x2000, s9, s14, $0x20;
	[tilespmem:$0x8080] =	vst v63  }
.LBB1_5:
0x12: {  	s15 =	sadd.s32 $0x4, s10  }
0x13: {  	s13 =	sadd.s32 $0x400, s11;
	s17 =	smov.u32 s11;
	p2 =	sgt.s32 s15, $0xC7  }
0x14: {  	s17 =	smov.u32 @p2 s13  }
0x15: {  	s15 =	smov.u32 @p2 s7;
	p2 =	sgt.s32 s17, $0x3FF  }
0x16: {  	s17 =	smov.u32 @p2 s3;
	p2 =	sne.s32 s12, s8  }
.Ltmp1:
0x17: {  	p1 =	slt.u32 s12, $0x2;
	(pc) =	sbr.rel @!p2 .LBB1_6-.Ltmp1, $4  }
0x18: {  	s16 =	simm.s32 @!p1 $0x2  }
0x19: {  	s14 =	smov.u32 s11;
	p0 =	por !p0, !p0;
	_ =	swait.ge @!p1 [sflag:s16], $0x2000  }
0x1a: {  	s13 =	smov.u32 s10;
	[sflag:s16] =	ssyncset.done @!p1 $0x0;
	s10 =	smov.u32 s15  }
0x1b: {  	s12 =	sadd.s32 $0x1, s12;
	[sflag:s16] =	ssyncadd.s32 @!p1 $0xFFFFE000;
	s11 =	smov.u32 s17  }
.LBB1_1:
0x1c: {  	p1 =	sge.u32 s12, s5  }
0x1d: {  	s15 =	sand.u32 @!p1 $0x1FFFFFF, s10  }
0x1e: {  	s16 =	smulhi.u32 @!p1 $0x147AE15, s15;
	_ =	sdelay $0x1  }
0x1f: {  	s16 =	smul.u32 @!p1 $0xC8, s16  }
0x20: {  	s17 =	sxor.u32 @!p1 $0xFFFFFFFF, s12;
	s18 =	smul.u32 @!p1 $0xC80, s11  }
0x21: {  	s31 =	sadd.s32 $0xFFFFFFFF, s12;
	s17 =	sshll.u32 @!p1 s17, $0xD;
	s15 =	ssub.s32 @!p1 s15, s16  }
0x22: {  	s16 =	sand.u32 @!p1 $0x2000, s17;
	s17 =	sadd.s32 @!p1 s6, s18;
	s15 =	sshll.u32 @!p1 s15, $0x4  }
0x23: {  	s18 =	simm.s32 @!p1 $0x6400;
	s15 =	sadd.s32 @!p1 s15, s17;
	s17 =	simm.s32 @!p1 $0x40  }
0x24: {  	[tilespmem:s16], [sflag:$0x1] =	stream.strided.gather @!p1 [hbm4b:s15+s17], $0x2000, s18, s17, $0x38;
	[tilespmem:$0x8080] =	vst v63  }
0x25: {  	p1 =	sge.u32 s31, s5  }
.Ltmp2:
0x26: {  	_ = 	snop;
	(pc) =	sbr.rel @p1 .LBB1_5-.Ltmp2, $1  }
0x27: {  	_ =	sdelay $0x3  }
0x28: {  	s15 =	simm.s32 $0x1  }
0x29: {  	_ =	swait.ge [sflag:s4], $0x2000;
	s15 =	simm.s32 @!p0 $0x0  }
0x2a: {  	[sflag:s4] =	ssyncset.done $0x0;
	s16 =	sshll.u32 s15, $0xD  }
0x2b: {  	[sflag:s4] =	ssyncadd.s32 $0xFFFFE000;
	s19 =	sor.u32 $0x20, s16  }
0x2c: {  	s15 =	smul.u32 $0x8100, s15;
	v3 =	vld [tilespmem:s19+$0x10]  }
0x2d: {  	s30 =	sand.u32 $0x1, s12;
	v2 =	vld [tilespmem:s19+$0xFFFFFFF0]  }
0x2e: {  	s16 =	smul.u32 $0x8100, s30;
	s15 =	sshrl.u32 s15, $0x2;
	v0 =	vld [tilespmem:s19+$0x0]  }
0x2f: {  	v1 =	vld [tilespmem:s19+$0xFFFFFFE0];
	s17 =	sor.u32 $0x4000, s15  }
0x30: {  	s31 =	sshrl.u32 s16, $0x2;
	s16 =	sadd.s32 $0x0, s17  }
0x31: {  	s18 =	simm.s32 $0x4;
	s19 =	sadd.s32 $0x40, s19;
	s15 =	sor.u32 $0x4000, s31;
	[tilespmem:s16+$0x1830 ss:$0x81] =	vst.msk $0xffff, v3  }
.LBB1_3:
0x32: {  	v3 =	vld [tilespmem:s19+$0x10];
	p1 =	sne.s32 s18, $0x1FC;
	[tilespmem:s16+$0x810 ss:$0x81] =	vst.msk $0xffff, v2;
	s20 =	smov.u32 s18;
	s18 =	sadd.s32 $0x4, s18  }
.Ltmp3:
0x33: {  	v2 =	vld [tilespmem:s19+$0xFFFFFFF0];
	[tilespmem:s16+$0x1020 ss:$0x81] =	vst.msk $0xffff, v0;
	(pc) =	sbr.rel @p1 .LBB1_3-.Ltmp3, $4  }
0x34: {  	v0 =	vld [tilespmem:s19+$0x0];
	[tilespmem:s16+$0x0 ss:$0x81] =	vst.msk $0xffff, v1  }
0x35: {  	s16 =	sshra.s32 s20, $0x2;
	v1 =	vld [tilespmem:s19+$0xFFFFFFE0]  }
0x36: {  	s16 =	sadd.s32 s16, s17  }
0x37: {  	s19 =	sadd.s32 $0x40, s19;
	[tilespmem:s16+$0x1830 ss:$0x81] =	vst.msk $0xffff, v3  }
.Ltmp4:
0x38: {  	_ = 	snop;
	(pc) =	sbr.rel .LBB1_4-.Ltmp4, $1  }
0x39: {  	_ =	sdelay $0x3  }
.LBB1_6:
0x3a: {  	_ =	sfence.sel $0x180000  }
0x3b: {  	s2 =	simm.s32 $0x1;
	[bflag:$0x0] =	sbarrier.arrive $0xFFFF  }
0x3c: {  	s31 =	simm.s32 $0x2;
	[sflag:s2] =	ssyncpa.u1 $0x1  }
0x3d: {  	[sflag:s31] =	ssyncpa.u1 $0x1  }
0x3e: {  	p0 =	sne.s32 s0, $0x0;
	_ =	strace $0x9000004A  }
0x3f: {  	s0 =	sadd.s32 @!p0 $0x100000, s1;
	[bflag:$0x2] =	sbarrier.arrive $0xFFFF  }
0x40: {  	[sflag:s0] =	ssyncadd.tile.s32 @!p0 $0x1;
	_ =	shalt  }
.Lfunc_end1:
_tile_overlayer_lowered:
.L_overlay_start_2:
0x41: {  	(tag) =	ssettag $0x2  }
0x42: {  	s0 =	rddreg [dreg:$0x0];
	s2 =	stileid.u32  }
0x43: {  	s1 =	rddreg [dreg:$0x1];
	p0 =	sne.s32 s2, $0x0  }
0x44: {  	s3 =	rddreg [dreg:$0x2];
	[bflag:$0x3] =	sbarrier.arrive $0xFFFF;
	s2 =	simm.s32 @!p0 $0x1C01  }
0x45: {  	[timem:s3], [sflag:s2] =	dma.local @!p0 [hbm:s0], s1  }
0x46: {  	s0 =	simm.s32 @!p0 $0x1  }
0x47: {  	_ =	swait.ge @!p0 [sflag:s0], s1  }
0x48: {  	s1 =	ssub.s32 @!p0 $0x0, s1;
	[sflag:s0] =	ssyncset.done @!p0 $0x0  }
0x49: {  	[sflag:s0] =	ssyncadd.s32 @!p0 s1  }
0x4a: {  	[bflag:$0x3] =	sbarrier.arrive $0xFFFF  }
0x4b: {  	_ =	shalt  }

</sc_bundles>
